<compile_context>
chip_gen: v7x
topology: tpu7x:2x2x1
jax: 0.10.2.dev20260603
libtpu: 0.0.44.dev20260713+nightly
codegen_flags: <defaults>
</compile_context>

<pallas_src>
import functools

import jax
import jax.numpy as jnp
from jax import lax
from jax.experimental import pallas as pl
from jax.experimental.pallas import tpu as pltpu
from jax.experimental.pallas import tpu_sc as plsc

NUM_EXPERTS = 64
NUM_K = 8
CAPACITY = 40 * 8
BATCH = 4
SEQ = 2048
HIDDEN = 4096
BLK_T = 1024
CH = 256
NTOK = BATCH * SEQ
NEG = -3.0e38


def _matmul_body(x_ref, wt_ref, logits_ref):
    logits_ref[0] = jnp.dot(x_ref[0], wt_ref[...],
                            preferred_element_type=jnp.float32)


def _tc_logits(hidden_states, wt):
    return pl.pallas_call(
        _matmul_body,
        grid=(BATCH, SEQ // BLK_T),
        in_specs=[
            pl.BlockSpec((1, BLK_T, HIDDEN), lambda b, s: (b, s, 0)),
            pl.BlockSpec((HIDDEN, NUM_EXPERTS), lambda b, s: (0, 0)),
        ],
        out_specs=pl.BlockSpec((1, BLK_T, NUM_EXPERTS), lambda b, s: (b, s, 0)),
        out_shape=jax.ShapeDtypeStruct((BATCH, SEQ, NUM_EXPERTS), jnp.float32),
    )(hidden_states, wt)


def _sc_route(logits_flat, interpret=False):
    mesh = plsc.VectorSubcoreMesh(core_axis_name="c", subcore_axis_name="s")

    @functools.partial(
        pl.kernel,
        mesh=mesh,
        out_type=[
            jax.ShapeDtypeStruct((NTOK * 16,), jnp.int32),
            jax.ShapeDtypeStruct((NTOK * NUM_EXPERTS,), jnp.int32),
            jax.ShapeDtypeStruct((NTOK * NUM_EXPERTS,), jnp.int32),
            jax.ShapeDtypeStruct((NTOK * 16,), jnp.float32),
        ],
        scratch_types=[
            pltpu.VMEM((CH * NUM_EXPERTS,), jnp.float32),
            pltpu.VMEM((CH * NUM_EXPERTS,), jnp.int32),
            pltpu.VMEM((CH * NUM_EXPERTS,), jnp.int32),
            pltpu.VMEM((CH * 16,), jnp.int32),
            pltpu.VMEM((CH * 16,), jnp.float32),
            pltpu.VMEM((NUM_EXPERTS,), jnp.int32),
            pltpu.VMEM((16 * NUM_EXPERTS,), jnp.int32),
            pltpu.VMEM_SHARED((16 * NUM_EXPERTS,), jnp.int32),
        ],
        compiler_params=pltpu.CompilerParams(needs_layout_passes=False),
        interpret=interpret,
    )
    def route(lg_hbm, idx_hbm, cnt_hbm, msk_hbm, tpv_hbm,
              lg_v, cnt_v, msk_v, idx_v, tpv_v, tot_v, pref_v, shared):
        lane = lax.iota(jnp.int32, 16)
        cid = lax.axis_index("c")
        sid = lax.axis_index("s")
        wid = cid * 16 + sid
        base = wid * CH * NUM_EXPERTS

        pltpu.sync_copy(lg_hbm.at[pl.ds(base, CH * NUM_EXPERTS)], lg_v)

        def tok1(t, tot):
            t0, t1, t2, t3 = tot
            off = t * NUM_EXPERTS
            w0 = lg_v[pl.ds(off, 16)]
            w1 = lg_v[pl.ds(off + 16, 16)]
            w2 = lg_v[pl.ds(off + 32, 16)]
            w3 = lg_v[pl.ds(off + 48, 16)]

            m = jnp.max(jnp.maximum(jnp.maximum(w0, w1),
                                    jnp.maximum(w2, w3)))
            sumexp = (jnp.sum(jnp.exp(w0 - m)) + jnp.sum(jnp.exp(w1 - m))
                      + jnp.sum(jnp.exp(w2 - m)) + jnp.sum(jnp.exp(w3 - m)))
            rcpv = 1.0 / jnp.broadcast_to(sumexp, (16,))

            c0 = jnp.zeros((16,), jnp.int32)
            c1 = jnp.zeros((16,), jnp.int32)
            c2 = jnp.zeros((16,), jnp.int32)
            c3 = jnp.zeros((16,), jnp.int32)
            idxv = jnp.zeros((16,), jnp.int32)
            tpvv = jnp.zeros((16,), jnp.float32)
            for j in range(NUM_K):
                s = jnp.max(jnp.maximum(jnp.maximum(w0, w1),
                                        jnp.maximum(w2, w3)))
                cand0 = jnp.where(w0 == s, lane, NUM_EXPERTS)
                cand1 = jnp.where(w1 == s, lane + 16, NUM_EXPERTS)
                cand2 = jnp.where(w2 == s, lane + 32, NUM_EXPERTS)
                cand3 = jnp.where(w3 == s, lane + 48, NUM_EXPERTS)
                ei = jnp.min(jnp.minimum(jnp.minimum(cand0, cand1),
                                         jnp.minimum(cand2, cand3)))
                h0 = lane == ei
                h1 = lane + 16 == ei
                h2 = lane + 32 == ei
                h3 = lane + 48 == ei
                w0 = jnp.where(h0, NEG, w0)
                w1 = jnp.where(h1, NEG, w1)
                w2 = jnp.where(h2, NEG, w2)
                w3 = jnp.where(h3, NEG, w3)
                c0 = c0 + h0.astype(jnp.int32)
                c1 = c1 + h1.astype(jnp.int32)
                c2 = c2 + h2.astype(jnp.int32)
                c3 = c3 + h3.astype(jnp.int32)
                jlane = lane == j
                idxv = jnp.where(jlane, ei, idxv)
                pv = jnp.exp(jnp.broadcast_to(s - m, (16,))) * rcpv
                tpvv = jnp.where(jlane, pv, tpvv)

            cnt_v[pl.ds(off, 16)] = c0
            cnt_v[pl.ds(off + 16, 16)] = c1
            cnt_v[pl.ds(off + 32, 16)] = c2
            cnt_v[pl.ds(off + 48, 16)] = c3
            idx_v[pl.ds(t * 16, 16)] = idxv
            tpv_v[pl.ds(t * 16, 16)] = tpvv
            return (t0 + c0, t1 + c1, t2 + c2, t3 + c3)

        z = jnp.zeros((16,), jnp.int32)
        tot = lax.fori_loop(0, CH, tok1, (z, z, z, z))
        tot_v[pl.ds(0, 16)] = tot[0]
        tot_v[pl.ds(16, 16)] = tot[1]
        tot_v[pl.ds(32, 16)] = tot[2]
        tot_v[pl.ds(48, 16)] = tot[3]

        pltpu.sync_copy(tot_v, shared.at[pl.ds(sid * NUM_EXPERTS, NUM_EXPERTS)])
        plsc.subcore_barrier()
        pltpu.sync_copy(shared, pref_v)

        bstart = (sid // 8) * 8
        a0 = jnp.zeros((16,), jnp.int32)
        a1 = jnp.zeros((16,), jnp.int32)
        a2 = jnp.zeros((16,), jnp.int32)
        a3 = jnp.zeros((16,), jnp.int32)
        for r in range(16):
            use = (r >= bstart) & (r < sid)
            a0 = a0 + jnp.where(use, pref_v[pl.ds(r * 64, 16)], 0)
            a1 = a1 + jnp.where(use, pref_v[pl.ds(r * 64 + 16, 16)], 0)
            a2 = a2 + jnp.where(use, pref_v[pl.ds(r * 64 + 32, 16)], 0)
            a3 = a3 + jnp.where(use, pref_v[pl.ds(r * 64 + 48, 16)], 0)

        def tok2(t, acc):
            a0, a1, a2, a3 = acc
            off = t * NUM_EXPERTS
            c0 = cnt_v[pl.ds(off, 16)]
            c1 = cnt_v[pl.ds(off + 16, 16)]
            c2 = cnt_v[pl.ds(off + 32, 16)]
            c3 = cnt_v[pl.ds(off + 48, 16)]
            a0 = a0 + c0
            a1 = a1 + c1
            a2 = a2 + c2
            a3 = a3 + c3
            k0 = (a0 <= CAPACITY).astype(jnp.int32)
            k1 = (a1 <= CAPACITY).astype(jnp.int32)
            k2 = (a2 <= CAPACITY).astype(jnp.int32)
            k3 = (a3 <= CAPACITY).astype(jnp.int32)
            msk_v[pl.ds(off, 16)] = k0
            msk_v[pl.ds(off + 16, 16)] = k1
            msk_v[pl.ds(off + 32, 16)] = k2
            msk_v[pl.ds(off + 48, 16)] = k3
            cnt_v[pl.ds(off, 16)] = c0 * k0
            cnt_v[pl.ds(off + 16, 16)] = c1 * k1
            cnt_v[pl.ds(off + 32, 16)] = c2 * k2
            cnt_v[pl.ds(off + 48, 16)] = c3 * k3
            return (a0, a1, a2, a3)

        lax.fori_loop(0, CH, tok2, (a0, a1, a2, a3))

        pltpu.sync_copy(cnt_v, cnt_hbm.at[pl.ds(base, CH * NUM_EXPERTS)])
        pltpu.sync_copy(msk_v, msk_hbm.at[pl.ds(base, CH * NUM_EXPERTS)])
        pltpu.sync_copy(idx_v, idx_hbm.at[pl.ds(wid * CH * 16, CH * 16)])
        pltpu.sync_copy(tpv_v, tpv_hbm.at[pl.ds(wid * CH * 16, CH * 16)])

    return route(logits_flat)


@jax.jit
def kernel(hidden_states, W):
    logits = _tc_logits(hidden_states, W.T)
    idx16, cnt, msk, tpv16 = _sc_route(logits.reshape(-1))
    idx = idx16.reshape(NTOK, 16)[:, :NUM_K].reshape(BATCH, SEQ, NUM_K)
    tpv = tpv16.reshape(NTOK, 16)[:, :NUM_K].reshape(BATCH, SEQ, NUM_K)
    cnt = cnt.reshape(BATCH, SEQ, NUM_EXPERTS)
    msk_b = (msk > 0).reshape(BATCH, SEQ, NUM_EXPERTS)
    return (idx, cnt, msk_b, tpv, logits)

# --- scband reference (transcript-rebuilt; emitter-appended) ---
"""Pipeline reference for scband-top-krouter-6236292514568 (READ-ONLY COPY).

The authoritative reference and input builder live on the scoring server;
editing this copy changes nothing except your own understanding.
"""

import jax, jax.numpy as jnp
import numpy as np

NUM_EXPERTS = 64
NUM_K = 8
EXPERT_CAPACITY = 40
HIDDEN = 4096
BATCH = 4
SEQ = 2048


def setup_inputs(seed: int = 0) -> dict:
    key = jax.random.key(seed)
    k1, k2 = jax.random.split(key)
    hidden_states = jax.random.normal(k1, (BATCH, SEQ, HIDDEN), dtype=jnp.float32)
    # nn.Linear(hidden_size, num_experts, bias=False) weight: [num_experts, hidden]
    W = jax.random.normal(k2, (NUM_EXPERTS, HIDDEN), dtype=jnp.float32) * 0.02
    return {"hidden_states": hidden_states, "W": W}


def reference(hidden_states, W):
    # jitter_noise = 0.0 -> no multiplicative noise branch
    # router_dtype == float32 == input dtype, so casts are no-ops
    router_logits = jnp.einsum('bsd,ed->bse', hidden_states, W)
    router_probs = jax.nn.softmax(router_logits, axis=-1)
    router_probs_top_k, expert_index_list = jax.lax.top_k(router_probs, NUM_K)
    # sum of one-hots over the top-k choices: [B, S, E] integer counts
    expert_index = sum(
        jax.nn.one_hot(expert_index_list[:, :, i], NUM_EXPERTS, dtype=jnp.int32)
        for i in range(NUM_K)
    )
    # cumulative token priority per expert along the sequence dim
    token_priority = jnp.cumsum(expert_index, axis=-2)
    expert_capacity_mask = token_priority <= EXPERT_CAPACITY * NUM_K
    expert_index = expert_index * expert_capacity_mask.astype(jnp.int32)
    return (expert_index_list, expert_index, expert_capacity_mask, router_probs_top_k, router_logits)

if __name__ == "__main__":
    import jax
    _d = setup_inputs()
    print(jax.jit(kernel)(*tuple(_d.values())))

</pallas_src>

<mosaic_0001>
#map = affine_map<(d0, d1) -> (0)>
module attributes {stable_mosaic.version = 14 : i64} {
  func.func @route(%arg0: i32, %arg1: i32, %arg2: memref<524288xf32, #tpu.memory_space<hbm>>, %arg3: memref<131072xi32, #tpu.memory_space<hbm>>, %arg4: memref<524288xi32, #tpu.memory_space<hbm>>, %arg5: memref<524288xi32, #tpu.memory_space<hbm>>, %arg6: memref<131072xf32, #tpu.memory_space<hbm>>, %arg7: memref<16384xf32, #tpu.memory_space<vmem>>, %arg8: memref<16384xi32, #tpu.memory_space<vmem>>, %arg9: memref<16384xi32, #tpu.memory_space<vmem>>, %arg10: memref<4096xi32, #tpu.memory_space<vmem>>, %arg11: memref<4096xf32, #tpu.memory_space<vmem>>, %arg12: memref<64xi32, #tpu.memory_space<vmem>>, %arg13: memref<1024xi32, #tpu.memory_space<vmem>>, %arg14: memref<1024xi32, #tpu.memory_space<vmem_shared>>) attributes {dimension_semantics = [#tpu.dimension_semantics<core_parallel>, #tpu.dimension_semantics<subcore_parallel>], iteration_bounds = array<i64: 2, 16>, scalar_prefetch = 0 : i64, scratch_operands = 8 : i64, tpu.core_type = #tpu.core_type<sc_vector_subcore>, window_params = [{transform_indices = #map}, {transform_indices = #map}, {transform_indices = #map}, {transform_indices = #map}, {transform_indices = #map}]} {
    %iota3A = tpu.iota {dimensions = array<i32: 0>} : vector<16xi32>
    %mul3A = arith.constant 16 : i32
    %mul3A_0 = arith.muli %arg0, %mul3A : i32
    %add3A = arith.addi %mul3A_0, %arg1 : i32
    %mul3A_1 = arith.constant 256 : i32
    %mul3A_2 = arith.muli %add3A, %mul3A_1 : i32
    %mul3A_3 = arith.constant 64 : i32
    %mul3A_4 = arith.muli %mul3A_2, %mul3A_3 : i32
    "tpu.region"() ({
      %run_scoped3A = tpu.sem_alloc : memref<!tpu.dma_semaphore, #tpu.memory_space<semaphore_mem>>
      %dma_start3A = tpu.memref_slice %arg2[%mul3A_4] : memref<524288xf32, #tpu.memory_space<hbm>> -> memref<16384xf32, #tpu.memory_space<hbm>>
      %dma_start3A_521 = tpu.memref_slice %arg2[%mul3A_4] : memref<524288xf32, #tpu.memory_space<hbm>> -> memref<16384xf32, #tpu.memory_space<hbm>>
      tpu.enqueue_dma source(%dma_start3A_521 : memref<16384xf32, #tpu.memory_space<hbm>>) target(%arg7 : memref<16384xf32, #tpu.memory_space<vmem>>) target_semaphore(%run_scoped3A : memref<!tpu.dma_semaphore, #tpu.memory_space<semaphore_mem>>)
      %dma_wait3A = tpu.memref_slice %arg2[%mul3A_4] : memref<524288xf32, #tpu.memory_space<hbm>> -> memref<16384xf32, #tpu.memory_space<hbm>>
      %dma_wait3A_522 = tpu.memref_slice %arg2[%mul3A_4] : memref<524288xf32, #tpu.memory_space<hbm>> -> memref<16384xf32, #tpu.memory_space<hbm>>
      tpu.wait_dma2 semaphore(%run_scoped3A : memref<!tpu.dma_semaphore, #tpu.memory_space<semaphore_mem>>) src(%dma_wait3A_522 : memref<16384xf32, #tpu.memory_space<hbm>>) dst(%arg7 : memref<16384xf32, #tpu.memory_space<vmem>>)
      tpu.yield
    }) : () -> ()
    %broadcast_in_dim3A = arith.constant 0 : i32
    %broadcast_in_dim3A_5 = vector.broadcast %broadcast_in_dim3A : i32 to vector<16xi32>
    %scan3A = arith.constant 0 : i32
    %scan3A_6 = arith.constant 256 : i32
    %scan3A_7 = arith.addi %scan3A, %scan3A_6 : i32
    %scan3A_8 = arith.constant 1 : i32
    %scan3A_9:4 = scf.for %scan3A_521 = %scan3A to %scan3A_7 step %scan3A_8 iter_args(%scan3A_522 = %broadcast_in_dim3A_5, %scan3A_523 = %broadcast_in_dim3A_5, %scan3A_524 = %broadcast_in_dim3A_5, %scan3A_525 = %broadcast_in_dim3A_5) -> (vector<16xi32>, vector<16xi32>, vector<16xi32>, vector<16xi32>)  : i32 {
      %mul3A_526 = arith.constant 64 : i32
      %mul3A_527 = arith.muli %scan3A_521, %mul3A_526 : i32
      %get3A_528 = arith.index_cast %mul3A_527 : i32 to index
      %get3A_529 = tpu.vector_load %arg7[%get3A_528] {strides = array<i32>} : memref<16384xf32, #tpu.memory_space<vmem>>, vector<16xf32>,
      %add3A_530 = arith.constant 16 : i32
      %add3A_531 = arith.addi %mul3A_527, %add3A_530 : i32
      %get3A_532 = arith.index_cast %add3A_531 : i32 to index
      %get3A_533 = tpu.vector_load %arg7[%get3A_532] {strides = array<i32>} : memref<16384xf32, #tpu.memory_space<vmem>>, vector<16xf32>,
      %add3A_534 = arith.constant 32 : i32
      %add3A_535 = arith.addi %mul3A_527, %add3A_534 : i32
      %get3A_536 = arith.index_cast %add3A_535 : i32 to index
      %get3A_537 = tpu.vector_load %arg7[%get3A_536] {strides = array<i32>} : memref<16384xf32, #tpu.memory_space<vmem>>, vector<16xf32>,
      %add3A_538 = arith.constant 48 : i32
      %add3A_539 = arith.addi %mul3A_527, %add3A_538 : i32
      %get3A_540 = arith.index_cast %add3A_539 : i32 to index
      %get3A_541 = tpu.vector_load %arg7[%get3A_540] {strides = array<i32>} : memref<16384xf32, #tpu.memory_space<vmem>>, vector<16xf32>,
      %max3A = arith.maximumf %get3A_529, %get3A_533 : vector<16xf32>
      %max3A_542 = arith.maximumf %get3A_537, %get3A_541 : vector<16xf32>
      %max3A_543 = arith.maximumf %max3A, %max3A_542 : vector<16xf32>
      %reduce_max3A = arith.constant true
      %reduce_max3A_544 = vector.broadcast %reduce_max3A : i1 to vector<16xi1>
      %reduce_max3A_545 = tpu.scan <max>, %max3A_543 masked %reduce_max3A_544 : vector<16xf32>, vector<16xi1> -> vector<16xf32>
      %reduce_max3A_546 = vector.extract %reduce_max3A_545[15] : f32 from vector<16xf32>
      %sub3A_547 = vector.broadcast %reduce_max3A_546 : f32 to vector<16xf32>
      %sub3A_548 = arith.subf %get3A_529, %sub3A_547 : vector<16xf32>
      %exp3A = math.exp %sub3A_548 : vector<16xf32>
      %reduce_sum3A = arith.constant true
      %reduce_sum3A_549 = vector.broadcast %reduce_sum3A : i1 to vector<16xi1>
      %reduce_sum3A_550 = tpu.scan <sum>, %exp3A masked %reduce_sum3A_549 : vector<16xf32>, vector<16xi1> -> vector<16xf32>
      %reduce_sum3A_551 = vector.extract %reduce_sum3A_550[15] : f32 from vector<16xf32>
      %sub3A_552 = vector.broadcast %reduce_max3A_546 : f32 to vector<16xf32>
      %sub3A_553 = arith.subf %get3A_533, %sub3A_552 : vector<16xf32>
      %exp3A_554 = math.exp %sub3A_553 : vector<16xf32>
      %reduce_sum3A_555 = arith.constant true
      %reduce_sum3A_556 = vector.broadcast %reduce_sum3A_555 : i1 to vector<16xi1>
      %reduce_sum3A_557 = tpu.scan <sum>, %exp3A_554 masked %reduce_sum3A_556 : vector<16xf32>, vector<16xi1> -> vector<16xf32>
      %reduce_sum3A_558 = vector.extract %reduce_sum3A_557[15] : f32 from vector<16xf32>
      %add3A_559 = arith.addf %reduce_sum3A_551, %reduce_sum3A_558 : f32
      %sub3A_560 = vector.broadcast %reduce_max3A_546 : f32 to vector<16xf32>
      %sub3A_561 = arith.subf %get3A_537, %sub3A_560 : vector<16xf32>
      %exp3A_562 = math.exp %sub3A_561 : vector<16xf32>
      %reduce_sum3A_563 = arith.constant true
      %reduce_sum3A_564 = vector.broadcast %reduce_sum3A_563 : i1 to vector<16xi1>
      %reduce_sum3A_565 = tpu.scan <sum>, %exp3A_562 masked %reduce_sum3A_564 : vector<16xf32>, vector<16xi1> -> vector<16xf32>
      %reduce_sum3A_566 = vector.extract %reduce_sum3A_565[15] : f32 from vector<16xf32>
      %add3A_567 = arith.addf %add3A_559, %reduce_sum3A_566 : f32
      %sub3A_568 = vector.broadcast %reduce_max3A_546 : f32 to vector<16xf32>
      %sub3A_569 = arith.subf %get3A_541, %sub3A_568 : vector<16xf32>
      %exp3A_570 = math.exp %sub3A_569 : vector<16xf32>
      %reduce_sum3A_571 = arith.constant true
      %reduce_sum3A_572 = vector.broadcast %reduce_sum3A_571 : i1 to vector<16xi1>
      %reduce_sum3A_573 = tpu.scan <sum>, %exp3A_570 masked %reduce_sum3A_572 : vector<16xf32>, vector<16xi1> -> vector<16xf32>
      %reduce_sum3A_574 = vector.extract %reduce_sum3A_573[15] : f32 from vector<16xf32>
      %add3A_575 = arith.addf %add3A_567, %reduce_sum3A_574 : f32
      %broadcast_in_dim3A_576 = vector.broadcast %add3A_575 : f32 to vector<16xf32>
      %div3A_577 = arith.constant 1.000000e+00 : f32
      %div3A_578 = vector.broadcast %div3A_577 : f32 to vector<16xf32>
      %div3A_579 = arith.divf %div3A_578, %broadcast_in_dim3A_576 : vector<16xf32>
      %broadcast_in_dim3A_580 = arith.constant 0 : i32
      %broadcast_in_dim3A_581 = vector.broadcast %broadcast_in_dim3A_580 : i32 to vector<16xi32>
      %broadcast_in_dim3A_582 = arith.constant 0 : i32
      %broadcast_in_dim3A_583 = vector.broadcast %broadcast_in_dim3A_582 : i32 to vector<16xi32>
      %broadcast_in_dim3A_584 = arith.constant 0 : i32
      %broadcast_in_dim3A_585 = vector.broadcast %broadcast_in_dim3A_584 : i32 to vector<16xi32>
      %broadcast_in_dim3A_586 = arith.constant 0 : i32
      %broadcast_in_dim3A_587 = vector.broadcast %broadcast_in_dim3A_586 : i32 to vector<16xi32>
      %broadcast_in_dim3A_588 = arith.constant 0 : i32
      %broadcast_in_dim3A_589 = vector.broadcast %broadcast_in_dim3A_588 : i32 to vector<16xi32>
      %broadcast_in_dim3A_590 = arith.constant 0.000000e+00 : f32
      %broadcast_in_dim3A_591 = vector.broadcast %broadcast_in_dim3A_590 : f32 to vector<16xf32>
      %max3A_592 = arith.maximumf %get3A_529, %get3A_533 : vector<16xf32>
      %max3A_593 = arith.maximumf %get3A_537, %get3A_541 : vector<16xf32>
      %max3A_594 = arith.maximumf %max3A_592, %max3A_593 : vector<16xf32>
      %reduce_max3A_595 = arith.constant true
      %reduce_max3A_596 = vector.broadcast %reduce_max3A_595 : i1 to vector<16xi1>
      %reduce_max3A_597 = tpu.scan <max>, %max3A_594 masked %reduce_max3A_596 : vector<16xf32>, vector<16xi1> -> vector<16xf32>
      %reduce_max3A_598 = vector.extract %reduce_max3A_597[15] : f32 from vector<16xf32>
      %eq3A = vector.broadcast %reduce_max3A_598 : f32 to vector<16xf32>
      %eq3A_599 = arith.cmpf oeq, %get3A_529, %eq3A : vector<16xf32>
      %jit3A_600 = arith.constant 64 : i32
      %broadcast_in_dim3A_601 = vector.broadcast %jit3A_600 : i32 to vector<16xi32>
      %select_n3A_602 = arith.select %eq3A_599, %iota3A, %broadcast_in_dim3A_601 : vector<16xi1>, vector<16xi32>
      %eq3A_603 = vector.broadcast %reduce_max3A_598 : f32 to vector<16xf32>
      %eq3A_604 = arith.cmpf oeq, %get3A_533, %eq3A_603 : vector<16xf32>
      %add3A_605 = arith.constant 16 : i32
      %add3A_606 = vector.broadcast %add3A_605 : i32 to vector<16xi32>
      %add3A_607 = arith.addi %iota3A, %add3A_606 : vector<16xi32>
      %jit3A_608 = arith.constant 64 : i32
      %broadcast_in_dim3A_609 = vector.broadcast %jit3A_608 : i32 to vector<16xi32>
      %select_n3A_610 = arith.select %eq3A_604, %add3A_607, %broadcast_in_dim3A_609 : vector<16xi1>, vector<16xi32>
      %eq3A_611 = vector.broadcast %reduce_max3A_598 : f32 to vector<16xf32>
      %eq3A_612 = arith.cmpf oeq, %get3A_537, %eq3A_611 : vector<16xf32>
      %add3A_613 = arith.constant 32 : i32
      %add3A_614 = vector.broadcast %add3A_613 : i32 to vector<16xi32>
      %add3A_615 = arith.addi %iota3A, %add3A_614 : vector<16xi32>
      %jit3A_616 = arith.constant 64 : i32
      %broadcast_in_dim3A_617 = vector.broadcast %jit3A_616 : i32 to vector<16xi32>
      %select_n3A_618 = arith.select %eq3A_612, %add3A_615, %broadcast_in_dim3A_617 : vector<16xi1>, vector<16xi32>
      %eq3A_619 = vector.broadcast %reduce_max3A_598 : f32 to vector<16xf32>
      %eq3A_620 = arith.cmpf oeq, %get3A_541, %eq3A_619 : vector<16xf32>
      %add3A_621 = arith.constant 48 : i32
      %add3A_622 = vector.broadcast %add3A_621 : i32 to vector<16xi32>
      %add3A_623 = arith.addi %iota3A, %add3A_622 : vector<16xi32>
      %jit3A_624 = arith.constant 64 : i32
      %broadcast_in_dim3A_625 = vector.broadcast %jit3A_624 : i32 to vector<16xi32>
      %select_n3A_626 = arith.select %eq3A_620, %add3A_623, %broadcast_in_dim3A_625 : vector<16xi1>, vector<16xi32>
      %min3A = arith.minsi %select_n3A_602, %select_n3A_610 : vector<16xi32>
      %min3A_627 = arith.minsi %select_n3A_618, %select_n3A_626 : vector<16xi32>
      %min3A_628 = arith.minsi %min3A, %min3A_627 : vector<16xi32>
      %reduce_min3A = arith.constant true
      %reduce_min3A_629 = vector.broadcast %reduce_min3A : i1 to vector<16xi1>
      %reduce_min3A_630 = arith.constant -2147483648 : i32
      %reduce_min3A_631 = vector.broadcast %reduce_min3A_630 : i32 to vector<16xi32>
      %reduce_min3A_632 = arith.xori %min3A_628, %reduce_min3A_631 : vector<16xi32>
      %reduce_min3A_633 = tpu.scan <min>, %reduce_min3A_632 masked %reduce_min3A_629 : vector<16xi32>, vector<16xi1> -> vector<16xi32>
      %reduce_min3A_634 = arith.xori %reduce_min3A_633, %reduce_min3A_631 : vector<16xi32>
      %reduce_min3A_635 = vector.extract %reduce_min3A_634[15] : i32 from vector<16xi32>
      %eq3A_636 = vector.broadcast %reduce_min3A_635 : i32 to vector<16xi32>
      %eq3A_637 = arith.cmpi eq, %iota3A, %eq3A_636 : vector<16xi32>
      %add3A_638 = arith.constant 16 : i32
      %add3A_639 = vector.broadcast %add3A_638 : i32 to vector<16xi32>
      %add3A_640 = arith.addi %iota3A, %add3A_639 : vector<16xi32>
      %eq3A_641 = vector.broadcast %reduce_min3A_635 : i32 to vector<16xi32>
      %eq3A_642 = arith.cmpi eq, %add3A_640, %eq3A_641 : vector<16xi32>
      %add3A_643 = arith.constant 32 : i32
      %add3A_644 = vector.broadcast %add3A_643 : i32 to vector<16xi32>
      %add3A_645 = arith.addi %iota3A, %add3A_644 : vector<16xi32>
      %eq3A_646 = vector.broadcast %reduce_min3A_635 : i32 to vector<16xi32>
      %eq3A_647 = arith.cmpi eq, %add3A_645, %eq3A_646 : vector<16xi32>
      %add3A_648 = arith.constant 48 : i32
      %add3A_649 = vector.broadcast %add3A_648 : i32 to vector<16xi32>
      %add3A_650 = arith.addi %iota3A, %add3A_649 : vector<16xi32>
      %eq3A_651 = vector.broadcast %reduce_min3A_635 : i32 to vector<16xi32>
      %eq3A_652 = arith.cmpi eq, %add3A_650, %eq3A_651 : vector<16xi32>
      %jit3A_653 = arith.constant -3.000000e+38 : f32
      %broadcast_in_dim3A_654 = vector.broadcast %jit3A_653 : f32 to vector<16xf32>
      %select_n3A_655 = arith.select %eq3A_637, %broadcast_in_dim3A_654, %get3A_529 : vector<16xi1>, vector<16xf32>
      %jit3A_656 = arith.constant -3.000000e+38 : f32
      %broadcast_in_dim3A_657 = vector.broadcast %jit3A_656 : f32 to vector<16xf32>
      %select_n3A_658 = arith.select %eq3A_642, %broadcast_in_dim3A_657, %get3A_533 : vector<16xi1>, vector<16xf32>
      %jit3A_659 = arith.constant -3.000000e+38 : f32
      %broadcast_in_dim3A_660 = vector.broadcast %jit3A_659 : f32 to vector<16xf32>
      %select_n3A_661 = arith.select %eq3A_647, %broadcast_in_dim3A_660, %get3A_537 : vector<16xi1>, vector<16xf32>
      %jit3A_662 = arith.constant -3.000000e+38 : f32
      %broadcast_in_dim3A_663 = vector.broadcast %jit3A_662 : f32 to vector<16xf32>
      %select_n3A_664 = arith.select %eq3A_652, %broadcast_in_dim3A_663, %get3A_541 : vector<16xi1>, vector<16xf32>
      %convert_element_type3A = arith.extui %eq3A_637 : vector<16xi1> to vector<16xi32>
      %add3A_665 = arith.addi %broadcast_in_dim3A_581, %convert_element_type3A : vector<16xi32>
      %convert_element_type3A_666 = arith.extui %eq3A_642 : vector<16xi1> to vector<16xi32>
      %add3A_667 = arith.addi %broadcast_in_dim3A_583, %convert_element_type3A_666 : vector<16xi32>
      %convert_element_type3A_668 = arith.extui %eq3A_647 : vector<16xi1> to vector<16xi32>
      %add3A_669 = arith.addi %broadcast_in_dim3A_585, %convert_element_type3A_668 : vector<16xi32>
      %convert_element_type3A_670 = arith.extui %eq3A_652 : vector<16xi1> to vector<16xi32>
      %add3A_671 = arith.addi %broadcast_in_dim3A_587, %convert_element_type3A_670 : vector<16xi32>
      %eq3A_672 = arith.constant 0 : i32
      %eq3A_673 = vector.broadcast %eq3A_672 : i32 to vector<16xi32>
      %eq3A_674 = arith.cmpi eq, %iota3A, %eq3A_673 : vector<16xi32>
      %broadcast_in_dim3A_675 = vector.broadcast %reduce_min3A_635 : i32 to vector<16xi32>
      %select_n3A_676 = arith.select %eq3A_674, %broadcast_in_dim3A_675, %broadcast_in_dim3A_589 : vector<16xi1>, vector<16xi32>
      %sub3A_677 = arith.subf %reduce_max3A_598, %reduce_max3A_546 : f32
      %broadcast_in_dim3A_678 = vector.broadcast %sub3A_677 : f32 to vector<16xf32>
      %exp3A_679 = math.exp %broadcast_in_dim3A_678 : vector<16xf32>
      %mul3A_680 = arith.mulf %exp3A_679, %div3A_579 : vector<16xf32>
      %select_n3A_681 = arith.select %eq3A_674, %mul3A_680, %broadcast_in_dim3A_591 : vector<16xi1>, vector<16xf32>
      %max3A_682 = arith.maximumf %select_n3A_655, %select_n3A_658 : vector<16xf32>
      %max3A_683 = arith.maximumf %select_n3A_661, %select_n3A_664 : vector<16xf32>
      %max3A_684 = arith.maximumf %max3A_682, %max3A_683 : vector<16xf32>
      %reduce_max3A_685 = arith.constant true
      %reduce_max3A_686 = vector.broadcast %reduce_max3A_685 : i1 to vector<16xi1>
      %reduce_max3A_687 = tpu.scan <max>, %max3A_684 masked %reduce_max3A_686 : vector<16xf32>, vector<16xi1> -> vector<16xf32>
      %reduce_max3A_688 = vector.extract %reduce_max3A_687[15] : f32 from vector<16xf32>
      %eq3A_689 = vector.broadcast %reduce_max3A_688 : f32 to vector<16xf32>
      %eq3A_690 = arith.cmpf oeq, %select_n3A_655, %eq3A_689 : vector<16xf32>
      %jit3A_691 = arith.constant 64 : i32
      %broadcast_in_dim3A_692 = vector.broadcast %jit3A_691 : i32 to vector<16xi32>
      %select_n3A_693 = arith.select %eq3A_690, %iota3A, %broadcast_in_dim3A_692 : vector<16xi1>, vector<16xi32>
      %eq3A_694 = vector.broadcast %reduce_max3A_688 : f32 to vector<16xf32>
      %eq3A_695 = arith.cmpf oeq, %select_n3A_658, %eq3A_694 : vector<16xf32>
      %add3A_696 = arith.constant 16 : i32
      %add3A_697 = vector.broadcast %add3A_696 : i32 to vector<16xi32>
      %add3A_698 = arith.addi %iota3A, %add3A_697 : vector<16xi32>
      %jit3A_699 = arith.constant 64 : i32
      %broadcast_in_dim3A_700 = vector.broadcast %jit3A_699 : i32 to vector<16xi32>
      %select_n3A_701 = arith.select %eq3A_695, %add3A_698, %broadcast_in_dim3A_700 : vector<16xi1>, vector<16xi32>
      %eq3A_702 = vector.broadcast %reduce_max3A_688 : f32 to vector<16xf32>
      %eq3A_703 = arith.cmpf oeq, %select_n3A_661, %eq3A_702 : vector<16xf32>
      %add3A_704 = arith.constant 32 : i32
      %add3A_705 = vector.broadcast %add3A_704 : i32 to vector<16xi32>
      %add3A_706 = arith.addi %iota3A, %add3A_705 : vector<16xi32>
      %jit3A_707 = arith.constant 64 : i32
      %broadcast_in_dim3A_708 = vector.broadcast %jit3A_707 : i32 to vector<16xi32>
      %select_n3A_709 = arith.select %eq3A_703, %add3A_706, %broadcast_in_dim3A_708 : vector<16xi1>, vector<16xi32>
      %eq3A_710 = vector.broadcast %reduce_max3A_688 : f32 to vector<16xf32>
      %eq3A_711 = arith.cmpf oeq, %select_n3A_664, %eq3A_710 : vector<16xf32>
      %add3A_712 = arith.constant 48 : i32
      %add3A_713 = vector.broadcast %add3A_712 : i32 to vector<16xi32>
      %add3A_714 = arith.addi %iota3A, %add3A_713 : vector<16xi32>
      %jit3A_715 = arith.constant 64 : i32
      %broadcast_in_dim3A_716 = vector.broadcast %jit3A_715 : i32 to vector<16xi32>
      %select_n3A_717 = arith.select %eq3A_711, %add3A_714, %broadcast_in_dim3A_716 : vector<16xi1>, vector<16xi32>
      %min3A_718 = arith.minsi %select_n3A_693, %select_n3A_701 : vector<16xi32>
      %min3A_719 = arith.minsi %select_n3A_709, %select_n3A_717 : vector<16xi32>
      %min3A_720 = arith.minsi %min3A_718, %min3A_719 : vector<16xi32>
      %reduce_min3A_721 = arith.constant true
      %reduce_min3A_722 = vector.broadcast %reduce_min3A_721 : i1 to vector<16xi1>
      %reduce_min3A_723 = arith.constant -2147483648 : i32
      %reduce_min3A_724 = vector.broadcast %reduce_min3A_723 : i32 to vector<16xi32>
      %reduce_min3A_725 = arith.xori %min3A_720, %reduce_min3A_724 : vector<16xi32>
      %reduce_min3A_726 = tpu.scan <min>, %reduce_min3A_725 masked %reduce_min3A_722 : vector<16xi32>, vector<16xi1> -> vector<16xi32>
      %reduce_min3A_727 = arith.xori %reduce_min3A_726, %reduce_min3A_724 : vector<16xi32>
      %reduce_min3A_728 = vector.extract %reduce_min3A_727[15] : i32 from vector<16xi32>
      %eq3A_729 = vector.broadcast %reduce_min3A_728 : i32 to vector<16xi32>
      %eq3A_730 = arith.cmpi eq, %iota3A, %eq3A_729 : vector<16xi32>
      %add3A_731 = arith.constant 16 : i32
      %add3A_732 = vector.broadcast %add3A_731 : i32 to vector<16xi32>
      %add3A_733 = arith.addi %iota3A, %add3A_732 : vector<16xi32>
      %eq3A_734 = vector.broadcast %reduce_min3A_728 : i32 to vector<16xi32>
      %eq3A_735 = arith.cmpi eq, %add3A_733, %eq3A_734 : vector<16xi32>
      %add3A_736 = arith.constant 32 : i32
      %add3A_737 = vector.broadcast %add3A_736 : i32 to vector<16xi32>
      %add3A_738 = arith.addi %iota3A, %add3A_737 : vector<16xi32>
      %eq3A_739 = vector.broadcast %reduce_min3A_728 : i32 to vector<16xi32>
      %eq3A_740 = arith.cmpi eq, %add3A_738, %eq3A_739 : vector<16xi32>
      %add3A_741 = arith.constant 48 : i32
      %add3A_742 = vector.broadcast %add3A_741 : i32 to vector<16xi32>
      %add3A_743 = arith.addi %iota3A, %add3A_742 : vector<16xi32>
      %eq3A_744 = vector.broadcast %reduce_min3A_728 : i32 to vector<16xi32>
      %eq3A_745 = arith.cmpi eq, %add3A_743, %eq3A_744 : vector<16xi32>
      %jit3A_746 = arith.constant -3.000000e+38 : f32
      %broadcast_in_dim3A_747 = vector.broadcast %jit3A_746 : f32 to vector<16xf32>
      %select_n3A_748 = arith.select %eq3A_730, %broadcast_in_dim3A_747, %select_n3A_655 : vector<16xi1>, vector<16xf32>
      %jit3A_749 = arith.constant -3.000000e+38 : f32
      %broadcast_in_dim3A_750 = vector.broadcast %jit3A_749 : f32 to vector<16xf32>
      %select_n3A_751 = arith.select %eq3A_735, %broadcast_in_dim3A_750, %select_n3A_658 : vector<16xi1>, vector<16xf32>
      %jit3A_752 = arith.constant -3.000000e+38 : f32
      %broadcast_in_dim3A_753 = vector.broadcast %jit3A_752 : f32 to vector<16xf32>
      %select_n3A_754 = arith.select %eq3A_740, %broadcast_in_dim3A_753, %select_n3A_661 : vector<16xi1>, vector<16xf32>
      %jit3A_755 = arith.constant -3.000000e+38 : f32
      %broadcast_in_dim3A_756 = vector.broadcast %jit3A_755 : f32 to vector<16xf32>
      %select_n3A_757 = arith.select %eq3A_745, %broadcast_in_dim3A_756, %select_n3A_664 : vector<16xi1>, vector<16xf32>
      %convert_element_type3A_758 = arith.extui %eq3A_730 : vector<16xi1> to vector<16xi32>
      %add3A_759 = arith.addi %add3A_665, %convert_element_type3A_758 : vector<16xi32>
      %convert_element_type3A_760 = arith.extui %eq3A_735 : vector<16xi1> to vector<16xi32>
      %add3A_761 = arith.addi %add3A_667, %convert_element_type3A_760 : vector<16xi32>
      %convert_element_type3A_762 = arith.extui %eq3A_740 : vector<16xi1> to vector<16xi32>
      %add3A_763 = arith.addi %add3A_669, %convert_element_type3A_762 : vector<16xi32>
      %convert_element_type3A_764 = arith.extui %eq3A_745 : vector<16xi1> to vector<16xi32>
      %add3A_765 = arith.addi %add3A_671, %convert_element_type3A_764 : vector<16xi32>
      %eq3A_766 = arith.constant 1 : i32
      %eq3A_767 = vector.broadcast %eq3A_766 : i32 to vector<16xi32>
      %eq3A_768 = arith.cmpi eq, %iota3A, %eq3A_767 : vector<16xi32>
      %broadcast_in_dim3A_769 = vector.broadcast %reduce_min3A_728 : i32 to vector<16xi32>
      %select_n3A_770 = arith.select %eq3A_768, %broadcast_in_dim3A_769, %select_n3A_676 : vector<16xi1>, vector<16xi32>
      %sub3A_771 = arith.subf %reduce_max3A_688, %reduce_max3A_546 : f32
      %broadcast_in_dim3A_772 = vector.broadcast %sub3A_771 : f32 to vector<16xf32>
      %exp3A_773 = math.exp %broadcast_in_dim3A_772 : vector<16xf32>
      %mul3A_774 = arith.mulf %exp3A_773, %div3A_579 : vector<16xf32>
      %select_n3A_775 = arith.select %eq3A_768, %mul3A_774, %select_n3A_681 : vector<16xi1>, vector<16xf32>
      %max3A_776 = arith.maximumf %select_n3A_748, %select_n3A_751 : vector<16xf32>
      %max3A_777 = arith.maximumf %select_n3A_754, %select_n3A_757 : vector<16xf32>
      %max3A_778 = arith.maximumf %max3A_776, %max3A_777 : vector<16xf32>
      %reduce_max3A_779 = arith.constant true
      %reduce_max3A_780 = vector.broadcast %reduce_max3A_779 : i1 to vector<16xi1>
      %reduce_max3A_781 = tpu.scan <max>, %max3A_778 masked %reduce_max3A_780 : vector<16xf32>, vector<16xi1> -> vector<16xf32>
      %reduce_max3A_782 = vector.extract %reduce_max3A_781[15] : f32 from vector<16xf32>
      %eq3A_783 = vector.broadcast %reduce_max3A_782 : f32 to vector<16xf32>
      %eq3A_784 = arith.cmpf oeq, %select_n3A_748, %eq3A_783 : vector<16xf32>
      %jit3A_785 = arith.constant 64 : i32
      %broadcast_in_dim3A_786 = vector.broadcast %jit3A_785 : i32 to vector<16xi32>
      %select_n3A_787 = arith.select %eq3A_784, %iota3A, %broadcast_in_dim3A_786 : vector<16xi1>, vector<16xi32>
      %eq3A_788 = vector.broadcast %reduce_max3A_782 : f32 to vector<16xf32>
      %eq3A_789 = arith.cmpf oeq, %select_n3A_751, %eq3A_788 : vector<16xf32>
      %add3A_790 = arith.constant 16 : i32
      %add3A_791 = vector.broadcast %add3A_790 : i32 to vector<16xi32>
      %add3A_792 = arith.addi %iota3A, %add3A_791 : vector<16xi32>
      %jit3A_793 = arith.constant 64 : i32
      %broadcast_in_dim3A_794 = vector.broadcast %jit3A_793 : i32 to vector<16xi32>
      %select_n3A_795 = arith.select %eq3A_789, %add3A_792, %broadcast_in_dim3A_794 : vector<16xi1>, vector<16xi32>
      %eq3A_796 = vector.broadcast %reduce_max3A_782 : f32 to vector<16xf32>
      %eq3A_797 = arith.cmpf oeq, %select_n3A_754, %eq3A_796 : vector<16xf32>
      %add3A_798 = arith.constant 32 : i32
      %add3A_799 = vector.broadcast %add3A_798 : i32 to vector<16xi32>
      %add3A_800 = arith.addi %iota3A, %add3A_799 : vector<16xi32>
      %jit3A_801 = arith.constant 64 : i32
      %broadcast_in_dim3A_802 = vector.broadcast %jit3A_801 : i32 to vector<16xi32>
      %select_n3A_803 = arith.select %eq3A_797, %add3A_800, %broadcast_in_dim3A_802 : vector<16xi1>, vector<16xi32>
      %eq3A_804 = vector.broadcast %reduce_max3A_782 : f32 to vector<16xf32>
      %eq3A_805 = arith.cmpf oeq, %select_n3A_757, %eq3A_804 : vector<16xf32>
      %add3A_806 = arith.constant 48 : i32
      %add3A_807 = vector.broadcast %add3A_806 : i32 to vector<16xi32>
      %add3A_808 = arith.addi %iota3A, %add3A_807 : vector<16xi32>
      %jit3A_809 = arith.constant 64 : i32
      %broadcast_in_dim3A_810 = vector.broadcast %jit3A_809 : i32 to vector<16xi32>
      %select_n3A_811 = arith.select %eq3A_805, %add3A_808, %broadcast_in_dim3A_810 : vector<16xi1>, vector<16xi32>
      %min3A_812 = arith.minsi %select_n3A_787, %select_n3A_795 : vector<16xi32>
      %min3A_813 = arith.minsi %select_n3A_803, %select_n3A_811 : vector<16xi32>
      %min3A_814 = arith.minsi %min3A_812, %min3A_813 : vector<16xi32>
      %reduce_min3A_815 = arith.constant true
      %reduce_min3A_816 = vector.broadcast %reduce_min3A_815 : i1 to vector<16xi1>
      %reduce_min3A_817 = arith.constant -2147483648 : i32
      %reduce_min3A_818 = vector.broadcast %reduce_min3A_817 : i32 to vector<16xi32>
      %reduce_min3A_819 = arith.xori %min3A_814, %reduce_min3A_818 : vector<16xi32>
      %reduce_min3A_820 = tpu.scan <min>, %reduce_min3A_819 masked %reduce_min3A_816 : vector<16xi32>, vector<16xi1> -> vector<16xi32>
      %reduce_min3A_821 = arith.xori %reduce_min3A_820, %reduce_min3A_818 : vector<16xi32>
      %reduce_min3A_822 = vector.extract %reduce_min3A_821[15] : i32 from vector<16xi32>
      %eq3A_823 = vector.broadcast %reduce_min3A_822 : i32 to vector<16xi32>
      %eq3A_824 = arith.cmpi eq, %iota3A, %eq3A_823 : vector<16xi32>
      %add3A_825 = arith.constant 16 : i32
      %add3A_826 = vector.broadcast %add3A_825 : i32 to vector<16xi32>
      %add3A_827 = arith.addi %iota3A, %add3A_826 : vector<16xi32>
      %eq3A_828 = vector.broadcast %reduce_min3A_822 : i32 to vector<16xi32>
      %eq3A_829 = arith.cmpi eq, %add3A_827, %eq3A_828 : vector<16xi32>
      %add3A_830 = arith.constant 32 : i32
      %add3A_831 = vector.broadcast %add3A_830 : i32 to vector<16xi32>
      %add3A_832 = arith.addi %iota3A, %add3A_831 : vector<16xi32>
      %eq3A_833 = vector.broadcast %reduce_min3A_822 : i32 to vector<16xi32>
      %eq3A_834 = arith.cmpi eq, %add3A_832, %eq3A_833 : vector<16xi32>
      %add3A_835 = arith.constant 48 : i32
      %add3A_836 = vector.broadcast %add3A_835 : i32 to vector<16xi32>
      %add3A_837 = arith.addi %iota3A, %add3A_836 : vector<16xi32>
      %eq3A_838 = vector.broadcast %reduce_min3A_822 : i32 to vector<16xi32>
      %eq3A_839 = arith.cmpi eq, %add3A_837, %eq3A_838 : vector<16xi32>
      %jit3A_840 = arith.constant -3.000000e+38 : f32
      %broadcast_in_dim3A_841 = vector.broadcast %jit3A_840 : f32 to vector<16xf32>
      %select_n3A_842 = arith.select %eq3A_824, %broadcast_in_dim3A_841, %select_n3A_748 : vector<16xi1>, vector<16xf32>
      %jit3A_843 = arith.constant -3.000000e+38 : f32
      %broadcast_in_dim3A_844 = vector.broadcast %jit3A_843 : f32 to vector<16xf32>
      %select_n3A_845 = arith.select %eq3A_829, %broadcast_in_dim3A_844, %select_n3A_751 : vector<16xi1>, vector<16xf32>
      %jit3A_846 = arith.constant -3.000000e+38 : f32
      %broadcast_in_dim3A_847 = vector.broadcast %jit3A_846 : f32 to vector<16xf32>
      %select_n3A_848 = arith.select %eq3A_834, %broadcast_in_dim3A_847, %select_n3A_754 : vector<16xi1>, vector<16xf32>
      %jit3A_849 = arith.constant -3.000000e+38 : f32
      %broadcast_in_dim3A_850 = vector.broadcast %jit3A_849 : f32 to vector<16xf32>
      %select_n3A_851 = arith.select %eq3A_839, %broadcast_in_dim3A_850, %select_n3A_757 : vector<16xi1>, vector<16xf32>
      %convert_element_type3A_852 = arith.extui %eq3A_824 : vector<16xi1> to vector<16xi32>
      %add3A_853 = arith.addi %add3A_759, %convert_element_type3A_852 : vector<16xi32>
      %convert_element_type3A_854 = arith.extui %eq3A_829 : vector<16xi1> to vector<16xi32>
      %add3A_855 = arith.addi %add3A_761, %convert_element_type3A_854 : vector<16xi32>
      %convert_element_type3A_856 = arith.extui %eq3A_834 : vector<16xi1> to vector<16xi32>
      %add3A_857 = arith.addi %add3A_763, %convert_element_type3A_856 : vector<16xi32>
      %convert_element_type3A_858 = arith.extui %eq3A_839 : vector<16xi1> to vector<16xi32>
      %add3A_859 = arith.addi %add3A_765, %convert_element_type3A_858 : vector<16xi32>
      %eq3A_860 = arith.constant 2 : i32
      %eq3A_861 = vector.broadcast %eq3A_860 : i32 to vector<16xi32>
      %eq3A_862 = arith.cmpi eq, %iota3A, %eq3A_861 : vector<16xi32>
      %broadcast_in_dim3A_863 = vector.broadcast %reduce_min3A_822 : i32 to vector<16xi32>
      %select_n3A_864 = arith.select %eq3A_862, %broadcast_in_dim3A_863, %select_n3A_770 : vector<16xi1>, vector<16xi32>
      %sub3A_865 = arith.subf %reduce_max3A_782, %reduce_max3A_546 : f32
      %broadcast_in_dim3A_866 = vector.broadcast %sub3A_865 : f32 to vector<16xf32>
      %exp3A_867 = math.exp %broadcast_in_dim3A_866 : vector<16xf32>
      %mul3A_868 = arith.mulf %exp3A_867, %div3A_579 : vector<16xf32>
      %select_n3A_869 = arith.select %eq3A_862, %mul3A_868, %select_n3A_775 : vector<16xi1>, vector<16xf32>
      %max3A_870 = arith.maximumf %select_n3A_842, %select_n3A_845 : vector<16xf32>
      %max3A_871 = arith.maximumf %select_n3A_848, %select_n3A_851 : vector<16xf32>
      %max3A_872 = arith.maximumf %max3A_870, %max3A_871 : vector<16xf32>
      %reduce_max3A_873 = arith.constant true
      %reduce_max3A_874 = vector.broadcast %reduce_max3A_873 : i1 to vector<16xi1>
      %reduce_max3A_875 = tpu.scan <max>, %max3A_872 masked %reduce_max3A_874 : vector<16xf32>, vector<16xi1> -> vector<16xf32>
      %reduce_max3A_876 = vector.extract %reduce_max3A_875[15] : f32 from vector<16xf32>
      %eq3A_877 = vector.broadcast %reduce_max3A_876 : f32 to vector<16xf32>
      %eq3A_878 = arith.cmpf oeq, %select_n3A_842, %eq3A_877 : vector<16xf32>
      %jit3A_879 = arith.constant 64 : i32
      %broadcast_in_dim3A_880 = vector.broadcast %jit3A_879 : i32 to vector<16xi32>
      %select_n3A_881 = arith.select %eq3A_878, %iota3A, %broadcast_in_dim3A_880 : vector<16xi1>, vector<16xi32>
      %eq3A_882 = vector.broadcast %reduce_max3A_876 : f32 to vector<16xf32>
      %eq3A_883 = arith.cmpf oeq, %select_n3A_845, %eq3A_882 : vector<16xf32>
      %add3A_884 = arith.constant 16 : i32
      %add3A_885 = vector.broadcast %add3A_884 : i32 to vector<16xi32>
      %add3A_886 = arith.addi %iota3A, %add3A_885 : vector<16xi32>
      %jit3A_887 = arith.constant 64 : i32
      %broadcast_in_dim3A_888 = vector.broadcast %jit3A_887 : i32 to vector<16xi32>
      %select_n3A_889 = arith.select %eq3A_883, %add3A_886, %broadcast_in_dim3A_888 : vector<16xi1>, vector<16xi32>
      %eq3A_890 = vector.broadcast %reduce_max3A_876 : f32 to vector<16xf32>
      %eq3A_891 = arith.cmpf oeq, %select_n3A_848, %eq3A_890 : vector<16xf32>
      %add3A_892 = arith.constant 32 : i32
      %add3A_893 = vector.broadcast %add3A_892 : i32 to vector<16xi32>
      %add3A_894 = arith.addi %iota3A, %add3A_893 : vector<16xi32>
      %jit3A_895 = arith.constant 64 : i32
      %broadcast_in_dim3A_896 = vector.broadcast %jit3A_895 : i32 to vector<16xi32>
      %select_n3A_897 = arith.select %eq3A_891, %add3A_894, %broadcast_in_dim3A_896 : vector<16xi1>, vector<16xi32>
      %eq3A_898 = vector.broadcast %reduce_max3A_876 : f32 to vector<16xf32>
      %eq3A_899 = arith.cmpf oeq, %select_n3A_851, %eq3A_898 : vector<16xf32>
      %add3A_900 = arith.constant 48 : i32
      %add3A_901 = vector.broadcast %add3A_900 : i32 to vector<16xi32>
      %add3A_902 = arith.addi %iota3A, %add3A_901 : vector<16xi32>
      %jit3A_903 = arith.constant 64 : i32
      %broadcast_in_dim3A_904 = vector.broadcast %jit3A_903 : i32 to vector<16xi32>
      %select_n3A_905 = arith.select %eq3A_899, %add3A_902, %broadcast_in_dim3A_904 : vector<16xi1>, vector<16xi32>
      %min3A_906 = arith.minsi %select_n3A_881, %select_n3A_889 : vector<16xi32>
      %min3A_907 = arith.minsi %select_n3A_897, %select_n3A_905 : vector<16xi32>
      %min3A_908 = arith.minsi %min3A_906, %min3A_907 : vector<16xi32>
      %reduce_min3A_909 = arith.constant true
      %reduce_min3A_910 = vector.broadcast %reduce_min3A_909 : i1 to vector<16xi1>
      %reduce_min3A_911 = arith.constant -2147483648 : i32
      %reduce_min3A_912 = vector.broadcast %reduce_min3A_911 : i32 to vector<16xi32>
      %reduce_min3A_913 = arith.xori %min3A_908, %reduce_min3A_912 : vector<16xi32>
      %reduce_min3A_914 = tpu.scan <min>, %reduce_min3A_913 masked %reduce_min3A_910 : vector<16xi32>, vector<16xi1> -> vector<16xi32>
      %reduce_min3A_915 = arith.xori %reduce_min3A_914, %reduce_min3A_912 : vector<16xi32>
      %reduce_min3A_916 = vector.extract %reduce_min3A_915[15] : i32 from vector<16xi32>
      %eq3A_917 = vector.broadcast %reduce_min3A_916 : i32 to vector<16xi32>
      %eq3A_918 = arith.cmpi eq, %iota3A, %eq3A_917 : vector<16xi32>
      %add3A_919 = arith.constant 16 : i32
      %add3A_920 = vector.broadcast %add3A_919 : i32 to vector<16xi32>
      %add3A_921 = arith.addi %iota3A, %add3A_920 : vector<16xi32>
      %eq3A_922 = vector.broadcast %reduce_min3A_916 : i32 to vector<16xi32>
      %eq3A_923 = arith.cmpi eq, %add3A_921, %eq3A_922 : vector<16xi32>
      %add3A_924 = arith.constant 32 : i32
      %add3A_925 = vector.broadcast %add3A_924 : i32 to vector<16xi32>
      %add3A_926 = arith.addi %iota3A, %add3A_925 : vector<16xi32>
      %eq3A_927 = vector.broadcast %reduce_min3A_916 : i32 to vector<16xi32>
      %eq3A_928 = arith.cmpi eq, %add3A_926, %eq3A_927 : vector<16xi32>
      %add3A_929 = arith.constant 48 : i32
      %add3A_930 = vector.broadcast %add3A_929 : i32 to vector<16xi32>
      %add3A_931 = arith.addi %iota3A, %add3A_930 : vector<16xi32>
      %eq3A_932 = vector.broadcast %reduce_min3A_916 : i32 to vector<16xi32>
      %eq3A_933 = arith.cmpi eq, %add3A_931, %eq3A_932 : vector<16xi32>
      %jit3A_934 = arith.constant -3.000000e+38 : f32
      %broadcast_in_dim3A_935 = vector.broadcast %jit3A_934 : f32 to vector<16xf32>
      %select_n3A_936 = arith.select %eq3A_918, %broadcast_in_dim3A_935, %select_n3A_842 : vector<16xi1>, vector<16xf32>
      %jit3A_937 = arith.constant -3.000000e+38 : f32
      %broadcast_in_dim3A_938 = vector.broadcast %jit3A_937 : f32 to vector<16xf32>
      %select_n3A_939 = arith.select %eq3A_923, %broadcast_in_dim3A_938, %select_n3A_845 : vector<16xi1>, vector<16xf32>
      %jit3A_940 = arith.constant -3.000000e+38 : f32
      %broadcast_in_dim3A_941 = vector.broadcast %jit3A_940 : f32 to vector<16xf32>
      %select_n3A_942 = arith.select %eq3A_928, %broadcast_in_dim3A_941, %select_n3A_848 : vector<16xi1>, vector<16xf32>
      %jit3A_943 = arith.constant -3.000000e+38 : f32
      %broadcast_in_dim3A_944 = vector.broadcast %jit3A_943 : f32 to vector<16xf32>
      %select_n3A_945 = arith.select %eq3A_933, %broadcast_in_dim3A_944, %select_n3A_851 : vector<16xi1>, vector<16xf32>
      %convert_element_type3A_946 = arith.extui %eq3A_918 : vector<16xi1> to vector<16xi32>
      %add3A_947 = arith.addi %add3A_853, %convert_element_type3A_946 : vector<16xi32>
      %convert_element_type3A_948 = arith.extui %eq3A_923 : vector<16xi1> to vector<16xi32>
      %add3A_949 = arith.addi %add3A_855, %convert_element_type3A_948 : vector<16xi32>
      %convert_element_type3A_950 = arith.extui %eq3A_928 : vector<16xi1> to vector<16xi32>
      %add3A_951 = arith.addi %add3A_857, %convert_element_type3A_950 : vector<16xi32>
      %convert_element_type3A_952 = arith.extui %eq3A_933 : vector<16xi1> to vector<16xi32>
      %add3A_953 = arith.addi %add3A_859, %convert_element_type3A_952 : vector<16xi32>
      %eq3A_954 = arith.constant 3 : i32
      %eq3A_955 = vector.broadcast %eq3A_954 : i32 to vector<16xi32>
      %eq3A_956 = arith.cmpi eq, %iota3A, %eq3A_955 : vector<16xi32>
      %broadcast_in_dim3A_957 = vector.broadcast %reduce_min3A_916 : i32 to vector<16xi32>
      %select_n3A_958 = arith.select %eq3A_956, %broadcast_in_dim3A_957, %select_n3A_864 : vector<16xi1>, vector<16xi32>
      %sub3A_959 = arith.subf %reduce_max3A_876, %reduce_max3A_546 : f32
      %broadcast_in_dim3A_960 = vector.broadcast %sub3A_959 : f32 to vector<16xf32>
      %exp3A_961 = math.exp %broadcast_in_dim3A_960 : vector<16xf32>
      %mul3A_962 = arith.mulf %exp3A_961, %div3A_579 : vector<16xf32>
      %select_n3A_963 = arith.select %eq3A_956, %mul3A_962, %select_n3A_869 : vector<16xi1>, vector<16xf32>
      %max3A_964 = arith.maximumf %select_n3A_936, %select_n3A_939 : vector<16xf32>
      %max3A_965 = arith.maximumf %select_n3A_942, %select_n3A_945 : vector<16xf32>
      %max3A_966 = arith.maximumf %max3A_964, %max3A_965 : vector<16xf32>
      %reduce_max3A_967 = arith.constant true
      %reduce_max3A_968 = vector.broadcast %reduce_max3A_967 : i1 to vector<16xi1>
      %reduce_max3A_969 = tpu.scan <max>, %max3A_966 masked %reduce_max3A_968 : vector<16xf32>, vector<16xi1> -> vector<16xf32>
      %reduce_max3A_970 = vector.extract %reduce_max3A_969[15] : f32 from vector<16xf32>
      %eq3A_971 = vector.broadcast %reduce_max3A_970 : f32 to vector<16xf32>
      %eq3A_972 = arith.cmpf oeq, %select_n3A_936, %eq3A_971 : vector<16xf32>
      %jit3A_973 = arith.constant 64 : i32
      %broadcast_in_dim3A_974 = vector.broadcast %jit3A_973 : i32 to vector<16xi32>
      %select_n3A_975 = arith.select %eq3A_972, %iota3A, %broadcast_in_dim3A_974 : vector<16xi1>, vector<16xi32>
      %eq3A_976 = vector.broadcast %reduce_max3A_970 : f32 to vector<16xf32>
      %eq3A_977 = arith.cmpf oeq, %select_n3A_939, %eq3A_976 : vector<16xf32>
      %add3A_978 = arith.constant 16 : i32
      %add3A_979 = vector.broadcast %add3A_978 : i32 to vector<16xi32>
      %add3A_980 = arith.addi %iota3A, %add3A_979 : vector<16xi32>
      %jit3A_981 = arith.constant 64 : i32
      %broadcast_in_dim3A_982 = vector.broadcast %jit3A_981 : i32 to vector<16xi32>
      %select_n3A_983 = arith.select %eq3A_977, %add3A_980, %broadcast_in_dim3A_982 : vector<16xi1>, vector<16xi32>
      %eq3A_984 = vector.broadcast %reduce_max3A_970 : f32 to vector<16xf32>
      %eq3A_985 = arith.cmpf oeq, %select_n3A_942, %eq3A_984 : vector<16xf32>
      %add3A_986 = arith.constant 32 : i32
      %add3A_987 = vector.broadcast %add3A_986 : i32 to vector<16xi32>
      %add3A_988 = arith.addi %iota3A, %add3A_987 : vector<16xi32>
      %jit3A_989 = arith.constant 64 : i32
      %broadcast_in_dim3A_990 = vector.broadcast %jit3A_989 : i32 to vector<16xi32>
      %select_n3A_991 = arith.select %eq3A_985, %add3A_988, %broadcast_in_dim3A_990 : vector<16xi1>, vector<16xi32>
      %eq3A_992 = vector.broadcast %reduce_max3A_970 : f32 to vector<16xf32>
      %eq3A_993 = arith.cmpf oeq, %select_n3A_945, %eq3A_992 : vector<16xf32>
      %add3A_994 = arith.constant 48 : i32
      %add3A_995 = vector.broadcast %add3A_994 : i32 to vector<16xi32>
      %add3A_996 = arith.addi %iota3A, %add3A_995 : vector<16xi32>
      %jit3A_997 = arith.constant 64 : i32
      %broadcast_in_dim3A_998 = vector.broadcast %jit3A_997 : i32 to vector<16xi32>
      %select_n3A_999 = arith.select %eq3A_993, %add3A_996, %broadcast_in_dim3A_998 : vector<16xi1>, vector<16xi32>
      %min3A_1000 = arith.minsi %select_n3A_975, %select_n3A_983 : vector<16xi32>
      %min3A_1001 = arith.minsi %select_n3A_991, %select_n3A_999 : vector<16xi32>
      %min3A_1002 = arith.minsi %min3A_1000, %min3A_1001 : vector<16xi32>
      %reduce_min3A_1003 = arith.constant true
      %reduce_min3A_1004 = vector.broadcast %reduce_min3A_1003 : i1 to vector<16xi1>
      %reduce_min3A_1005 = arith.constant -2147483648 : i32
      %reduce_min3A_1006 = vector.broadcast %reduce_min3A_1005 : i32 to vector<16xi32>
      %reduce_min3A_1007 = arith.xori %min3A_1002, %reduce_min3A_1006 : vector<16xi32>
      %reduce_min3A_1008 = tpu.scan <min>, %reduce_min3A_1007 masked %reduce_min3A_1004 : vector<16xi32>, vector<16xi1> -> vector<16xi32>
      %reduce_min3A_1009 = arith.xori %reduce_min3A_1008, %reduce_min3A_1006 : vector<16xi32>
      %reduce_min3A_1010 = vector.extract %reduce_min3A_1009[15] : i32 from vector<16xi32>
      %eq3A_1011 = vector.broadcast %reduce_min3A_1010 : i32 to vector<16xi32>
      %eq3A_1012 = arith.cmpi eq, %iota3A, %eq3A_1011 : vector<16xi32>
      %add3A_1013 = arith.constant 16 : i32
      %add3A_1014 = vector.broadcast %add3A_1013 : i32 to vector<16xi32>
      %add3A_1015 = arith.addi %iota3A, %add3A_1014 : vector<16xi32>
      %eq3A_1016 = vector.broadcast %reduce_min3A_1010 : i32 to vector<16xi32>
      %eq3A_1017 = arith.cmpi eq, %add3A_1015, %eq3A_1016 : vector<16xi32>
      %add3A_1018 = arith.constant 32 : i32
      %add3A_1019 = vector.broadcast %add3A_1018 : i32 to vector<16xi32>
      %add3A_1020 = arith.addi %iota3A, %add3A_1019 : vector<16xi32>
      %eq3A_1021 = vector.broadcast %reduce_min3A_1010 : i32 to vector<16xi32>
      %eq3A_1022 = arith.cmpi eq, %add3A_1020, %eq3A_1021 : vector<16xi32>
      %add3A_1023 = arith.constant 48 : i32
      %add3A_1024 = vector.broadcast %add3A_1023 : i32 to vector<16xi32>
      %add3A_1025 = arith.addi %iota3A, %add3A_1024 : vector<16xi32>
      %eq3A_1026 = vector.broadcast %reduce_min3A_1010 : i32 to vector<16xi32>
      %eq3A_1027 = arith.cmpi eq, %add3A_1025, %eq3A_1026 : vector<16xi32>
      %jit3A_1028 = arith.constant -3.000000e+38 : f32
      %broadcast_in_dim3A_1029 = vector.broadcast %jit3A_1028 : f32 to vector<16xf32>
      %select_n3A_1030 = arith.select %eq3A_1012, %broadcast_in_dim3A_1029, %select_n3A_936 : vector<16xi1>, vector<16xf32>
      %jit3A_1031 = arith.constant -3.000000e+38 : f32
      %broadcast_in_dim3A_1032 = vector.broadcast %jit3A_1031 : f32 to vector<16xf32>
      %select_n3A_1033 = arith.select %eq3A_1017, %broadcast_in_dim3A_1032, %select_n3A_939 : vector<16xi1>, vector<16xf32>
      %jit3A_1034 = arith.constant -3.000000e+38 : f32
      %broadcast_in_dim3A_1035 = vector.broadcast %jit3A_1034 : f32 to vector<16xf32>
      %select_n3A_1036 = arith.select %eq3A_1022, %broadcast_in_dim3A_1035, %select_n3A_942 : vector<16xi1>, vector<16xf32>
      %jit3A_1037 = arith.constant -3.000000e+38 : f32
      %broadcast_in_dim3A_1038 = vector.broadcast %jit3A_1037 : f32 to vector<16xf32>
      %select_n3A_1039 = arith.select %eq3A_1027, %broadcast_in_dim3A_1038, %select_n3A_945 : vector<16xi1>, vector<16xf32>
      %convert_element_type3A_1040 = arith.extui %eq3A_1012 : vector<16xi1> to vector<16xi32>
      %add3A_1041 = arith.addi %add3A_947, %convert_element_type3A_1040 : vector<16xi32>
      %convert_element_type3A_1042 = arith.extui %eq3A_1017 : vector<16xi1> to vector<16xi32>
      %add3A_1043 = arith.addi %add3A_949, %convert_element_type3A_1042 : vector<16xi32>
      %convert_element_type3A_1044 = arith.extui %eq3A_1022 : vector<16xi1> to vector<16xi32>
      %add3A_1045 = arith.addi %add3A_951, %convert_element_type3A_1044 : vector<16xi32>
      %convert_element_type3A_1046 = arith.extui %eq3A_1027 : vector<16xi1> to vector<16xi32>
      %add3A_1047 = arith.addi %add3A_953, %convert_element_type3A_1046 : vector<16xi32>
      %eq3A_1048 = arith.constant 4 : i32
      %eq3A_1049 = vector.broadcast %eq3A_1048 : i32 to vector<16xi32>
      %eq3A_1050 = arith.cmpi eq, %iota3A, %eq3A_1049 : vector<16xi32>
      %broadcast_in_dim3A_1051 = vector.broadcast %reduce_min3A_1010 : i32 to vector<16xi32>
      %select_n3A_1052 = arith.select %eq3A_1050, %broadcast_in_dim3A_1051, %select_n3A_958 : vector<16xi1>, vector<16xi32>
      %sub3A_1053 = arith.subf %reduce_max3A_970, %reduce_max3A_546 : f32
      %broadcast_in_dim3A_1054 = vector.broadcast %sub3A_1053 : f32 to vector<16xf32>
      %exp3A_1055 = math.exp %broadcast_in_dim3A_1054 : vector<16xf32>
      %mul3A_1056 = arith.mulf %exp3A_1055, %div3A_579 : vector<16xf32>
      %select_n3A_1057 = arith.select %eq3A_1050, %mul3A_1056, %select_n3A_963 : vector<16xi1>, vector<16xf32>
      %max3A_1058 = arith.maximumf %select_n3A_1030, %select_n3A_1033 : vector<16xf32>
      %max3A_1059 = arith.maximumf %select_n3A_1036, %select_n3A_1039 : vector<16xf32>
      %max3A_1060 = arith.maximumf %max3A_1058, %max3A_1059 : vector<16xf32>
      %reduce_max3A_1061 = arith.constant true
      %reduce_max3A_1062 = vector.broadcast %reduce_max3A_1061 : i1 to vector<16xi1>
      %reduce_max3A_1063 = tpu.scan <max>, %max3A_1060 masked %reduce_max3A_1062 : vector<16xf32>, vector<16xi1> -> vector<16xf32>
      %reduce_max3A_1064 = vector.extract %reduce_max3A_1063[15] : f32 from vector<16xf32>
      %eq3A_1065 = vector.broadcast %reduce_max3A_1064 : f32 to vector<16xf32>
      %eq3A_1066 = arith.cmpf oeq, %select_n3A_1030, %eq3A_1065 : vector<16xf32>
      %jit3A_1067 = arith.constant 64 : i32
      %broadcast_in_dim3A_1068 = vector.broadcast %jit3A_1067 : i32 to vector<16xi32>
      %select_n3A_1069 = arith.select %eq3A_1066, %iota3A, %broadcast_in_dim3A_1068 : vector<16xi1>, vector<16xi32>
      %eq3A_1070 = vector.broadcast %reduce_max3A_1064 : f32 to vector<16xf32>
      %eq3A_1071 = arith.cmpf oeq, %select_n3A_1033, %eq3A_1070 : vector<16xf32>
      %add3A_1072 = arith.constant 16 : i32
      %add3A_1073 = vector.broadcast %add3A_1072 : i32 to vector<16xi32>
      %add3A_1074 = arith.addi %iota3A, %add3A_1073 : vector<16xi32>
      %jit3A_1075 = arith.constant 64 : i32
      %broadcast_in_dim3A_1076 = vector.broadcast %jit3A_1075 : i32 to vector<16xi32>
      %select_n3A_1077 = arith.select %eq3A_1071, %add3A_1074, %broadcast_in_dim3A_1076 : vector<16xi1>, vector<16xi32>
      %eq3A_1078 = vector.broadcast %reduce_max3A_1064 : f32 to vector<16xf32>
      %eq3A_1079 = arith.cmpf oeq, %select_n3A_1036, %eq3A_1078 : vector<16xf32>
      %add3A_1080 = arith.constant 32 : i32
      %add3A_1081 = vector.broadcast %add3A_1080 : i32 to vector<16xi32>
      %add3A_1082 = arith.addi %iota3A, %add3A_1081 : vector<16xi32>
      %jit3A_1083 = arith.constant 64 : i32
      %broadcast_in_dim3A_1084 = vector.broadcast %jit3A_1083 : i32 to vector<16xi32>
      %select_n3A_1085 = arith.select %eq3A_1079, %add3A_1082, %broadcast_in_dim3A_1084 : vector<16xi1>, vector<16xi32>
      %eq3A_1086 = vector.broadcast %reduce_max3A_1064 : f32 to vector<16xf32>
      %eq3A_1087 = arith.cmpf oeq, %select_n3A_1039, %eq3A_1086 : vector<16xf32>
      %add3A_1088 = arith.constant 48 : i32
      %add3A_1089 = vector.broadcast %add3A_1088 : i32 to vector<16xi32>
      %add3A_1090 = arith.addi %iota3A, %add3A_1089 : vector<16xi32>
      %jit3A_1091 = arith.constant 64 : i32
      %broadcast_in_dim3A_1092 = vector.broadcast %jit3A_1091 : i32 to vector<16xi32>
      %select_n3A_1093 = arith.select %eq3A_1087, %add3A_1090, %broadcast_in_dim3A_1092 : vector<16xi1>, vector<16xi32>
      %min3A_1094 = arith.minsi %select_n3A_1069, %select_n3A_1077 : vector<16xi32>
      %min3A_1095 = arith.minsi %select_n3A_1085, %select_n3A_1093 : vector<16xi32>
      %min3A_1096 = arith.minsi %min3A_1094, %min3A_1095 : vector<16xi32>
      %reduce_min3A_1097 = arith.constant true
      %reduce_min3A_1098 = vector.broadcast %reduce_min3A_1097 : i1 to vector<16xi1>
      %reduce_min3A_1099 = arith.constant -2147483648 : i32
      %reduce_min3A_1100 = vector.broadcast %reduce_min3A_1099 : i32 to vector<16xi32>
      %reduce_min3A_1101 = arith.xori %min3A_1096, %reduce_min3A_1100 : vector<16xi32>
      %reduce_min3A_1102 = tpu.scan <min>, %reduce_min3A_1101 masked %reduce_min3A_1098 : vector<16xi32>, vector<16xi1> -> vector<16xi32>
      %reduce_min3A_1103 = arith.xori %reduce_min3A_1102, %reduce_min3A_1100 : vector<16xi32>
      %reduce_min3A_1104 = vector.extract %reduce_min3A_1103[15] : i32 from vector<16xi32>
      %eq3A_1105 = vector.broadcast %reduce_min3A_1104 : i32 to vector<16xi32>
      %eq3A_1106 = arith.cmpi eq, %iota3A, %eq3A_1105 : vector<16xi32>
      %add3A_1107 = arith.constant 16 : i32
      %add3A_1108 = vector.broadcast %add3A_1107 : i32 to vector<16xi32>
      %add3A_1109 = arith.addi %iota3A, %add3A_1108 : vector<16xi32>
      %eq3A_1110 = vector.broadcast %reduce_min3A_1104 : i32 to vector<16xi32>
      %eq3A_1111 = arith.cmpi eq, %add3A_1109, %eq3A_1110 : vector<16xi32>
      %add3A_1112 = arith.constant 32 : i32
      %add3A_1113 = vector.broadcast %add3A_1112 : i32 to vector<16xi32>
      %add3A_1114 = arith.addi %iota3A, %add3A_1113 : vector<16xi32>
      %eq3A_1115 = vector.broadcast %reduce_min3A_1104 : i32 to vector<16xi32>
      %eq3A_1116 = arith.cmpi eq, %add3A_1114, %eq3A_1115 : vector<16xi32>
      %add3A_1117 = arith.constant 48 : i32
      %add3A_1118 = vector.broadcast %add3A_1117 : i32 to vector<16xi32>
      %add3A_1119 = arith.addi %iota3A, %add3A_1118 : vector<16xi32>
      %eq3A_1120 = vector.broadcast %reduce_min3A_1104 : i32 to vector<16xi32>
      %eq3A_1121 = arith.cmpi eq, %add3A_1119, %eq3A_1120 : vector<16xi32>
      %jit3A_1122 = arith.constant -3.000000e+38 : f32
      %broadcast_in_dim3A_1123 = vector.broadcast %jit3A_1122 : f32 to vector<16xf32>
      %select_n3A_1124 = arith.select %eq3A_1106, %broadcast_in_dim3A_1123, %select_n3A_1030 : vector<16xi1>, vector<16xf32>
      %jit3A_1125 = arith.constant -3.000000e+38 : f32
      %broadcast_in_dim3A_1126 = vector.broadcast %jit3A_1125 : f32 to vector<16xf32>
      %select_n3A_1127 = arith.select %eq3A_1111, %broadcast_in_dim3A_1126, %select_n3A_1033 : vector<16xi1>, vector<16xf32>
      %jit3A_1128 = arith.constant -3.000000e+38 : f32
      %broadcast_in_dim3A_1129 = vector.broadcast %jit3A_1128 : f32 to vector<16xf32>
      %select_n3A_1130 = arith.select %eq3A_1116, %broadcast_in_dim3A_1129, %select_n3A_1036 : vector<16xi1>, vector<16xf32>
      %jit3A_1131 = arith.constant -3.000000e+38 : f32
      %broadcast_in_dim3A_1132 = vector.broadcast %jit3A_1131 : f32 to vector<16xf32>
      %select_n3A_1133 = arith.select %eq3A_1121, %broadcast_in_dim3A_1132, %select_n3A_1039 : vector<16xi1>, vector<16xf32>
      %convert_element_type3A_1134 = arith.extui %eq3A_1106 : vector<16xi1> to vector<16xi32>
      %add3A_1135 = arith.addi %add3A_1041, %convert_element_type3A_1134 : vector<16xi32>
      %convert_element_type3A_1136 = arith.extui %eq3A_1111 : vector<16xi1> to vector<16xi32>
      %add3A_1137 = arith.addi %add3A_1043, %convert_element_type3A_1136 : vector<16xi32>
      %convert_element_type3A_1138 = arith.extui %eq3A_1116 : vector<16xi1> to vector<16xi32>
      %add3A_1139 = arith.addi %add3A_1045, %convert_element_type3A_1138 : vector<16xi32>
      %convert_element_type3A_1140 = arith.extui %eq3A_1121 : vector<16xi1> to vector<16xi32>
      %add3A_1141 = arith.addi %add3A_1047, %convert_element_type3A_1140 : vector<16xi32>
      %eq3A_1142 = arith.constant 5 : i32
      %eq3A_1143 = vector.broadcast %eq3A_1142 : i32 to vector<16xi32>
      %eq3A_1144 = arith.cmpi eq, %iota3A, %eq3A_1143 : vector<16xi32>
      %broadcast_in_dim3A_1145 = vector.broadcast %reduce_min3A_1104 : i32 to vector<16xi32>
      %select_n3A_1146 = arith.select %eq3A_1144, %broadcast_in_dim3A_1145, %select_n3A_1052 : vector<16xi1>, vector<16xi32>
      %sub3A_1147 = arith.subf %reduce_max3A_1064, %reduce_max3A_546 : f32
      %broadcast_in_dim3A_1148 = vector.broadcast %sub3A_1147 : f32 to vector<16xf32>
      %exp3A_1149 = math.exp %broadcast_in_dim3A_1148 : vector<16xf32>
      %mul3A_1150 = arith.mulf %exp3A_1149, %div3A_579 : vector<16xf32>
      %select_n3A_1151 = arith.select %eq3A_1144, %mul3A_1150, %select_n3A_1057 : vector<16xi1>, vector<16xf32>
      %max3A_1152 = arith.maximumf %select_n3A_1124, %select_n3A_1127 : vector<16xf32>
      %max3A_1153 = arith.maximumf %select_n3A_1130, %select_n3A_1133 : vector<16xf32>
      %max3A_1154 = arith.maximumf %max3A_1152, %max3A_1153 : vector<16xf32>
      %reduce_max3A_1155 = arith.constant true
      %reduce_max3A_1156 = vector.broadcast %reduce_max3A_1155 : i1 to vector<16xi1>
      %reduce_max3A_1157 = tpu.scan <max>, %max3A_1154 masked %reduce_max3A_1156 : vector<16xf32>, vector<16xi1> -> vector<16xf32>
      %reduce_max3A_1158 = vector.extract %reduce_max3A_1157[15] : f32 from vector<16xf32>
      %eq3A_1159 = vector.broadcast %reduce_max3A_1158 : f32 to vector<16xf32>
      %eq3A_1160 = arith.cmpf oeq, %select_n3A_1124, %eq3A_1159 : vector<16xf32>
      %jit3A_1161 = arith.constant 64 : i32
      %broadcast_in_dim3A_1162 = vector.broadcast %jit3A_1161 : i32 to vector<16xi32>
      %select_n3A_1163 = arith.select %eq3A_1160, %iota3A, %broadcast_in_dim3A_1162 : vector<16xi1>, vector<16xi32>
      %eq3A_1164 = vector.broadcast %reduce_max3A_1158 : f32 to vector<16xf32>
      %eq3A_1165 = arith.cmpf oeq, %select_n3A_1127, %eq3A_1164 : vector<16xf32>
      %add3A_1166 = arith.constant 16 : i32
      %add3A_1167 = vector.broadcast %add3A_1166 : i32 to vector<16xi32>
      %add3A_1168 = arith.addi %iota3A, %add3A_1167 : vector<16xi32>
      %jit3A_1169 = arith.constant 64 : i32
      %broadcast_in_dim3A_1170 = vector.broadcast %jit3A_1169 : i32 to vector<16xi32>
      %select_n3A_1171 = arith.select %eq3A_1165, %add3A_1168, %broadcast_in_dim3A_1170 : vector<16xi1>, vector<16xi32>
      %eq3A_1172 = vector.broadcast %reduce_max3A_1158 : f32 to vector<16xf32>
      %eq3A_1173 = arith.cmpf oeq, %select_n3A_1130, %eq3A_1172 : vector<16xf32>
      %add3A_1174 = arith.constant 32 : i32
      %add3A_1175 = vector.broadcast %add3A_1174 : i32 to vector<16xi32>
      %add3A_1176 = arith.addi %iota3A, %add3A_1175 : vector<16xi32>
      %jit3A_1177 = arith.constant 64 : i32
      %broadcast_in_dim3A_1178 = vector.broadcast %jit3A_1177 : i32 to vector<16xi32>
      %select_n3A_1179 = arith.select %eq3A_1173, %add3A_1176, %broadcast_in_dim3A_1178 : vector<16xi1>, vector<16xi32>
      %eq3A_1180 = vector.broadcast %reduce_max3A_1158 : f32 to vector<16xf32>
      %eq3A_1181 = arith.cmpf oeq, %select_n3A_1133, %eq3A_1180 : vector<16xf32>
      %add3A_1182 = arith.constant 48 : i32
      %add3A_1183 = vector.broadcast %add3A_1182 : i32 to vector<16xi32>
      %add3A_1184 = arith.addi %iota3A, %add3A_1183 : vector<16xi32>
      %jit3A_1185 = arith.constant 64 : i32
      %broadcast_in_dim3A_1186 = vector.broadcast %jit3A_1185 : i32 to vector<16xi32>
      %select_n3A_1187 = arith.select %eq3A_1181, %add3A_1184, %broadcast_in_dim3A_1186 : vector<16xi1>, vector<16xi32>
      %min3A_1188 = arith.minsi %select_n3A_1163, %select_n3A_1171 : vector<16xi32>
      %min3A_1189 = arith.minsi %select_n3A_1179, %select_n3A_1187 : vector<16xi32>
      %min3A_1190 = arith.minsi %min3A_1188, %min3A_1189 : vector<16xi32>
      %reduce_min3A_1191 = arith.constant true
      %reduce_min3A_1192 = vector.broadcast %reduce_min3A_1191 : i1 to vector<16xi1>
      %reduce_min3A_1193 = arith.constant -2147483648 : i32
      %reduce_min3A_1194 = vector.broadcast %reduce_min3A_1193 : i32 to vector<16xi32>
      %reduce_min3A_1195 = arith.xori %min3A_1190, %reduce_min3A_1194 : vector<16xi32>
      %reduce_min3A_1196 = tpu.scan <min>, %reduce_min3A_1195 masked %reduce_min3A_1192 : vector<16xi32>, vector<16xi1> -> vector<16xi32>
      %reduce_min3A_1197 = arith.xori %reduce_min3A_1196, %reduce_min3A_1194 : vector<16xi32>
      %reduce_min3A_1198 = vector.extract %reduce_min3A_1197[15] : i32 from vector<16xi32>
      %eq3A_1199 = vector.broadcast %reduce_min3A_1198 : i32 to vector<16xi32>
      %eq3A_1200 = arith.cmpi eq, %iota3A, %eq3A_1199 : vector<16xi32>
      %add3A_1201 = arith.constant 16 : i32
      %add3A_1202 = vector.broadcast %add3A_1201 : i32 to vector<16xi32>
      %add3A_1203 = arith.addi %iota3A, %add3A_1202 : vector<16xi32>
      %eq3A_1204 = vector.broadcast %reduce_min3A_1198 : i32 to vector<16xi32>
      %eq3A_1205 = arith.cmpi eq, %add3A_1203, %eq3A_1204 : vector<16xi32>
      %add3A_1206 = arith.constant 32 : i32
      %add3A_1207 = vector.broadcast %add3A_1206 : i32 to vector<16xi32>
      %add3A_1208 = arith.addi %iota3A, %add3A_1207 : vector<16xi32>
      %eq3A_1209 = vector.broadcast %reduce_min3A_1198 : i32 to vector<16xi32>
      %eq3A_1210 = arith.cmpi eq, %add3A_1208, %eq3A_1209 : vector<16xi32>
      %add3A_1211 = arith.constant 48 : i32
      %add3A_1212 = vector.broadcast %add3A_1211 : i32 to vector<16xi32>
      %add3A_1213 = arith.addi %iota3A, %add3A_1212 : vector<16xi32>
      %eq3A_1214 = vector.broadcast %reduce_min3A_1198 : i32 to vector<16xi32>
      %eq3A_1215 = arith.cmpi eq, %add3A_1213, %eq3A_1214 : vector<16xi32>
      %jit3A_1216 = arith.constant -3.000000e+38 : f32
      %broadcast_in_dim3A_1217 = vector.broadcast %jit3A_1216 : f32 to vector<16xf32>
      %select_n3A_1218 = arith.select %eq3A_1200, %broadcast_in_dim3A_1217, %select_n3A_1124 : vector<16xi1>, vector<16xf32>
      %jit3A_1219 = arith.constant -3.000000e+38 : f32
      %broadcast_in_dim3A_1220 = vector.broadcast %jit3A_1219 : f32 to vector<16xf32>
      %select_n3A_1221 = arith.select %eq3A_1205, %broadcast_in_dim3A_1220, %select_n3A_1127 : vector<16xi1>, vector<16xf32>
      %jit3A_1222 = arith.constant -3.000000e+38 : f32
      %broadcast_in_dim3A_1223 = vector.broadcast %jit3A_1222 : f32 to vector<16xf32>
      %select_n3A_1224 = arith.select %eq3A_1210, %broadcast_in_dim3A_1223, %select_n3A_1130 : vector<16xi1>, vector<16xf32>
      %jit3A_1225 = arith.constant -3.000000e+38 : f32
      %broadcast_in_dim3A_1226 = vector.broadcast %jit3A_1225 : f32 to vector<16xf32>
      %select_n3A_1227 = arith.select %eq3A_1215, %broadcast_in_dim3A_1226, %select_n3A_1133 : vector<16xi1>, vector<16xf32>
      %convert_element_type3A_1228 = arith.extui %eq3A_1200 : vector<16xi1> to vector<16xi32>
      %add3A_1229 = arith.addi %add3A_1135, %convert_element_type3A_1228 : vector<16xi32>
      %convert_element_type3A_1230 = arith.extui %eq3A_1205 : vector<16xi1> to vector<16xi32>
      %add3A_1231 = arith.addi %add3A_1137, %convert_element_type3A_1230 : vector<16xi32>
      %convert_element_type3A_1232 = arith.extui %eq3A_1210 : vector<16xi1> to vector<16xi32>
      %add3A_1233 = arith.addi %add3A_1139, %convert_element_type3A_1232 : vector<16xi32>
      %convert_element_type3A_1234 = arith.extui %eq3A_1215 : vector<16xi1> to vector<16xi32>
      %add3A_1235 = arith.addi %add3A_1141, %convert_element_type3A_1234 : vector<16xi32>
      %eq3A_1236 = arith.constant 6 : i32
      %eq3A_1237 = vector.broadcast %eq3A_1236 : i32 to vector<16xi32>
      %eq3A_1238 = arith.cmpi eq, %iota3A, %eq3A_1237 : vector<16xi32>
      %broadcast_in_dim3A_1239 = vector.broadcast %reduce_min3A_1198 : i32 to vector<16xi32>
      %select_n3A_1240 = arith.select %eq3A_1238, %broadcast_in_dim3A_1239, %select_n3A_1146 : vector<16xi1>, vector<16xi32>
      %sub3A_1241 = arith.subf %reduce_max3A_1158, %reduce_max3A_546 : f32
      %broadcast_in_dim3A_1242 = vector.broadcast %sub3A_1241 : f32 to vector<16xf32>
      %exp3A_1243 = math.exp %broadcast_in_dim3A_1242 : vector<16xf32>
      %mul3A_1244 = arith.mulf %exp3A_1243, %div3A_579 : vector<16xf32>
      %select_n3A_1245 = arith.select %eq3A_1238, %mul3A_1244, %select_n3A_1151 : vector<16xi1>, vector<16xf32>
      %max3A_1246 = arith.maximumf %select_n3A_1218, %select_n3A_1221 : vector<16xf32>
      %max3A_1247 = arith.maximumf %select_n3A_1224, %select_n3A_1227 : vector<16xf32>
      %max3A_1248 = arith.maximumf %max3A_1246, %max3A_1247 : vector<16xf32>
      %reduce_max3A_1249 = arith.constant true
      %reduce_max3A_1250 = vector.broadcast %reduce_max3A_1249 : i1 to vector<16xi1>
      %reduce_max3A_1251 = tpu.scan <max>, %max3A_1248 masked %reduce_max3A_1250 : vector<16xf32>, vector<16xi1> -> vector<16xf32>
      %reduce_max3A_1252 = vector.extract %reduce_max3A_1251[15] : f32 from vector<16xf32>
      %eq3A_1253 = vector.broadcast %reduce_max3A_1252 : f32 to vector<16xf32>
      %eq3A_1254 = arith.cmpf oeq, %select_n3A_1218, %eq3A_1253 : vector<16xf32>
      %jit3A_1255 = arith.constant 64 : i32
      %broadcast_in_dim3A_1256 = vector.broadcast %jit3A_1255 : i32 to vector<16xi32>
      %select_n3A_1257 = arith.select %eq3A_1254, %iota3A, %broadcast_in_dim3A_1256 : vector<16xi1>, vector<16xi32>
      %eq3A_1258 = vector.broadcast %reduce_max3A_1252 : f32 to vector<16xf32>
      %eq3A_1259 = arith.cmpf oeq, %select_n3A_1221, %eq3A_1258 : vector<16xf32>
      %add3A_1260 = arith.constant 16 : i32
      %add3A_1261 = vector.broadcast %add3A_1260 : i32 to vector<16xi32>
      %add3A_1262 = arith.addi %iota3A, %add3A_1261 : vector<16xi32>
      %jit3A_1263 = arith.constant 64 : i32
      %broadcast_in_dim3A_1264 = vector.broadcast %jit3A_1263 : i32 to vector<16xi32>
      %select_n3A_1265 = arith.select %eq3A_1259, %add3A_1262, %broadcast_in_dim3A_1264 : vector<16xi1>, vector<16xi32>
      %eq3A_1266 = vector.broadcast %reduce_max3A_1252 : f32 to vector<16xf32>
      %eq3A_1267 = arith.cmpf oeq, %select_n3A_1224, %eq3A_1266 : vector<16xf32>
      %add3A_1268 = arith.constant 32 : i32
      %add3A_1269 = vector.broadcast %add3A_1268 : i32 to vector<16xi32>
      %add3A_1270 = arith.addi %iota3A, %add3A_1269 : vector<16xi32>
      %jit3A_1271 = arith.constant 64 : i32
      %broadcast_in_dim3A_1272 = vector.broadcast %jit3A_1271 : i32 to vector<16xi32>
      %select_n3A_1273 = arith.select %eq3A_1267, %add3A_1270, %broadcast_in_dim3A_1272 : vector<16xi1>, vector<16xi32>
      %eq3A_1274 = vector.broadcast %reduce_max3A_1252 : f32 to vector<16xf32>
      %eq3A_1275 = arith.cmpf oeq, %select_n3A_1227, %eq3A_1274 : vector<16xf32>
      %add3A_1276 = arith.constant 48 : i32
      %add3A_1277 = vector.broadcast %add3A_1276 : i32 to vector<16xi32>
      %add3A_1278 = arith.addi %iota3A, %add3A_1277 : vector<16xi32>
      %jit3A_1279 = arith.constant 64 : i32
      %broadcast_in_dim3A_1280 = vector.broadcast %jit3A_1279 : i32 to vector<16xi32>
      %select_n3A_1281 = arith.select %eq3A_1275, %add3A_1278, %broadcast_in_dim3A_1280 : vector<16xi1>, vector<16xi32>
      %min3A_1282 = arith.minsi %select_n3A_1257, %select_n3A_1265 : vector<16xi32>
      %min3A_1283 = arith.minsi %select_n3A_1273, %select_n3A_1281 : vector<16xi32>
      %min3A_1284 = arith.minsi %min3A_1282, %min3A_1283 : vector<16xi32>
      %reduce_min3A_1285 = arith.constant true
      %reduce_min3A_1286 = vector.broadcast %reduce_min3A_1285 : i1 to vector<16xi1>
      %reduce_min3A_1287 = arith.constant -2147483648 : i32
      %reduce_min3A_1288 = vector.broadcast %reduce_min3A_1287 : i32 to vector<16xi32>
      %reduce_min3A_1289 = arith.xori %min3A_1284, %reduce_min3A_1288 : vector<16xi32>
      %reduce_min3A_1290 = tpu.scan <min>, %reduce_min3A_1289 masked %reduce_min3A_1286 : vector<16xi32>, vector<16xi1> -> vector<16xi32>
      %reduce_min3A_1291 = arith.xori %reduce_min3A_1290, %reduce_min3A_1288 : vector<16xi32>
      %reduce_min3A_1292 = vector.extract %reduce_min3A_1291[15] : i32 from vector<16xi32>
      %eq3A_1293 = vector.broadcast %reduce_min3A_1292 : i32 to vector<16xi32>
      %eq3A_1294 = arith.cmpi eq, %iota3A, %eq3A_1293 : vector<16xi32>
      %add3A_1295 = arith.constant 16 : i32
      %add3A_1296 = vector.broadcast %add3A_1295 : i32 to vector<16xi32>
      %add3A_1297 = arith.addi %iota3A, %add3A_1296 : vector<16xi32>
      %eq3A_1298 = vector.broadcast %reduce_min3A_1292 : i32 to vector<16xi32>
      %eq3A_1299 = arith.cmpi eq, %add3A_1297, %eq3A_1298 : vector<16xi32>
      %add3A_1300 = arith.constant 32 : i32
      %add3A_1301 = vector.broadcast %add3A_1300 : i32 to vector<16xi32>
      %add3A_1302 = arith.addi %iota3A, %add3A_1301 : vector<16xi32>
      %eq3A_1303 = vector.broadcast %reduce_min3A_1292 : i32 to vector<16xi32>
      %eq3A_1304 = arith.cmpi eq, %add3A_1302, %eq3A_1303 : vector<16xi32>
      %add3A_1305 = arith.constant 48 : i32
      %add3A_1306 = vector.broadcast %add3A_1305 : i32 to vector<16xi32>
      %add3A_1307 = arith.addi %iota3A, %add3A_1306 : vector<16xi32>
      %eq3A_1308 = vector.broadcast %reduce_min3A_1292 : i32 to vector<16xi32>
      %eq3A_1309 = arith.cmpi eq, %add3A_1307, %eq3A_1308 : vector<16xi32>
      %jit3A_1310 = arith.constant -3.000000e+38 : f32
      %broadcast_in_dim3A_1311 = vector.broadcast %jit3A_1310 : f32 to vector<16xf32>
      %select_n3A_1312 = arith.select %eq3A_1294, %broadcast_in_dim3A_1311, %select_n3A_1218 : vector<16xi1>, vector<16xf32>
      %jit3A_1313 = arith.constant -3.000000e+38 : f32
      %broadcast_in_dim3A_1314 = vector.broadcast %jit3A_1313 : f32 to vector<16xf32>
      %select_n3A_1315 = arith.select %eq3A_1299, %broadcast_in_dim3A_1314, %select_n3A_1221 : vector<16xi1>, vector<16xf32>
      %jit3A_1316 = arith.constant -3.000000e+38 : f32
      %broadcast_in_dim3A_1317 = vector.broadcast %jit3A_1316 : f32 to vector<16xf32>
      %select_n3A_1318 = arith.select %eq3A_1304, %broadcast_in_dim3A_1317, %select_n3A_1224 : vector<16xi1>, vector<16xf32>
      %jit3A_1319 = arith.constant -3.000000e+38 : f32
      %broadcast_in_dim3A_1320 = vector.broadcast %jit3A_1319 : f32 to vector<16xf32>
      %select_n3A_1321 = arith.select %eq3A_1309, %broadcast_in_dim3A_1320, %select_n3A_1227 : vector<16xi1>, vector<16xf32>
      %convert_element_type3A_1322 = arith.extui %eq3A_1294 : vector<16xi1> to vector<16xi32>
      %add3A_1323 = arith.addi %add3A_1229, %convert_element_type3A_1322 : vector<16xi32>
      %convert_element_type3A_1324 = arith.extui %eq3A_1299 : vector<16xi1> to vector<16xi32>
      %add3A_1325 = arith.addi %add3A_1231, %convert_element_type3A_1324 : vector<16xi32>
      %convert_element_type3A_1326 = arith.extui %eq3A_1304 : vector<16xi1> to vector<16xi32>
      %add3A_1327 = arith.addi %add3A_1233, %convert_element_type3A_1326 : vector<16xi32>
      %convert_element_type3A_1328 = arith.extui %eq3A_1309 : vector<16xi1> to vector<16xi32>
      %add3A_1329 = arith.addi %add3A_1235, %convert_element_type3A_1328 : vector<16xi32>
      %eq3A_1330 = arith.constant 7 : i32
      %eq3A_1331 = vector.broadcast %eq3A_1330 : i32 to vector<16xi32>
      %eq3A_1332 = arith.cmpi eq, %iota3A, %eq3A_1331 : vector<16xi32>
      %broadcast_in_dim3A_1333 = vector.broadcast %reduce_min3A_1292 : i32 to vector<16xi32>
      %select_n3A_1334 = arith.select %eq3A_1332, %broadcast_in_dim3A_1333, %select_n3A_1240 : vector<16xi1>, vector<16xi32>
      %sub3A_1335 = arith.subf %reduce_max3A_1252, %reduce_max3A_546 : f32
      %broadcast_in_dim3A_1336 = vector.broadcast %sub3A_1335 : f32 to vector<16xf32>
      %exp3A_1337 = math.exp %broadcast_in_dim3A_1336 : vector<16xf32>
      %mul3A_1338 = arith.mulf %exp3A_1337, %div3A_579 : vector<16xf32>
      %select_n3A_1339 = arith.select %eq3A_1332, %mul3A_1338, %select_n3A_1245 : vector<16xi1>, vector<16xf32>
      %swap3A_1340 = arith.index_cast %mul3A_527 : i32 to index
      %swap3A_1341 = tpu.vector_load %arg8[%swap3A_1340] {strides = array<i32>} : memref<16384xi32, #tpu.memory_space<vmem>>, vector<16xi32>,
      tpu.vector_store %arg8[%swap3A_1340], %add3A_1323 {strides = array<i32>} : memref<16384xi32, #tpu.memory_space<vmem>>, vector<16xi32>,
      %add3A_1342 = arith.constant 16 : i32
      %add3A_1343 = arith.addi %mul3A_527, %add3A_1342 : i32
      %swap3A_1344 = arith.index_cast %add3A_1343 : i32 to index
      %swap3A_1345 = tpu.vector_load %arg8[%swap3A_1344] {strides = array<i32>} : memref<16384xi32, #tpu.memory_space<vmem>>, vector<16xi32>,
      tpu.vector_store %arg8[%swap3A_1344], %add3A_1325 {strides = array<i32>} : memref<16384xi32, #tpu.memory_space<vmem>>, vector<16xi32>,
      %add3A_1346 = arith.constant 32 : i32
      %add3A_1347 = arith.addi %mul3A_527, %add3A_1346 : i32
      %swap3A_1348 = arith.index_cast %add3A_1347 : i32 to index
      %swap3A_1349 = tpu.vector_load %arg8[%swap3A_1348] {strides = array<i32>} : memref<16384xi32, #tpu.memory_space<vmem>>, vector<16xi32>,
      tpu.vector_store %arg8[%swap3A_1348], %add3A_1327 {strides = array<i32>} : memref<16384xi32, #tpu.memory_space<vmem>>, vector<16xi32>,
      %add3A_1350 = arith.constant 48 : i32
      %add3A_1351 = arith.addi %mul3A_527, %add3A_1350 : i32
      %swap3A_1352 = arith.index_cast %add3A_1351 : i32 to index
      %swap3A_1353 = tpu.vector_load %arg8[%swap3A_1352] {strides = array<i32>} : memref<16384xi32, #tpu.memory_space<vmem>>, vector<16xi32>,
      tpu.vector_store %arg8[%swap3A_1352], %add3A_1329 {strides = array<i32>} : memref<16384xi32, #tpu.memory_space<vmem>>, vector<16xi32>,
      %mul3A_1354 = arith.constant 16 : i32
      %mul3A_1355 = arith.muli %scan3A_521, %mul3A_1354 : i32
      %swap3A_1356 = arith.index_cast %mul3A_1355 : i32 to index
      %swap3A_1357 = tpu.vector_load %arg10[%swap3A_1356] {strides = array<i32>} : memref<4096xi32, #tpu.memory_space<vmem>>, vector<16xi32>,
      tpu.vector_store %arg10[%swap3A_1356], %select_n3A_1334 {strides = array<i32>} : memref<4096xi32, #tpu.memory_space<vmem>>, vector<16xi32>,
      %mul3A_1358 = arith.constant 16 : i32
      %mul3A_1359 = arith.muli %scan3A_521, %mul3A_1358 : i32
      %swap3A_1360 = arith.index_cast %mul3A_1359 : i32 to index
      %swap3A_1361 = tpu.vector_load %arg11[%swap3A_1360] {strides = array<i32>} : memref<4096xf32, #tpu.memory_space<vmem>>, vector<16xf32>,
      tpu.vector_store %arg11[%swap3A_1360], %select_n3A_1339 {strides = array<i32>} : memref<4096xf32, #tpu.memory_space<vmem>>, vector<16xf32>,
      %add3A_1362 = arith.addi %scan3A_522, %add3A_1323 : vector<16xi32>
      %add3A_1363 = arith.addi %scan3A_523, %add3A_1325 : vector<16xi32>
      %add3A_1364 = arith.addi %scan3A_524, %add3A_1327 : vector<16xi32>
      %add3A_1365 = arith.addi %scan3A_525, %add3A_1329 : vector<16xi32>
      scf.yield %add3A_1362, %add3A_1363, %add3A_1364, %add3A_1365 : vector<16xi32>, vector<16xi32>, vector<16xi32>, vector<16xi32>
    }
    %scan3A_10 = arith.constant 256 : i32
    %swap3A = arith.constant 0 : index
    %swap3A_11 = tpu.vector_load %arg12[%swap3A] {strides = array<i32>} : memref<64xi32, #tpu.memory_space<vmem>>, vector<16xi32>,
    tpu.vector_store %arg12[%swap3A], %scan3A_9#0 {strides = array<i32>} : memref<64xi32, #tpu.memory_space<vmem>>, vector<16xi32>,
    %swap3A_12 = arith.constant 16 : index
    %swap3A_13 = tpu.vector_load %arg12[%swap3A_12] {strides = array<i32>} : memref<64xi32, #tpu.memory_space<vmem>>, vector<16xi32>,
    tpu.vector_store %arg12[%swap3A_12], %scan3A_9#1 {strides = array<i32>} : memref<64xi32, #tpu.memory_space<vmem>>, vector<16xi32>,
    %swap3A_14 = arith.constant 32 : index
    %swap3A_15 = tpu.vector_load %arg12[%swap3A_14] {strides = array<i32>} : memref<64xi32, #tpu.memory_space<vmem>>, vector<16xi32>,
    tpu.vector_store %arg12[%swap3A_14], %scan3A_9#2 {strides = array<i32>} : memref<64xi32, #tpu.memory_space<vmem>>, vector<16xi32>,
    %swap3A_16 = arith.constant 48 : index
    %swap3A_17 = tpu.vector_load %arg12[%swap3A_16] {strides = array<i32>} : memref<64xi32, #tpu.memory_space<vmem>>, vector<16xi32>,
    tpu.vector_store %arg12[%swap3A_16], %scan3A_9#3 {strides = array<i32>} : memref<64xi32, #tpu.memory_space<vmem>>, vector<16xi32>,
    %mul3A_18 = arith.constant 64 : i32
    %mul3A_19 = arith.muli %arg1, %mul3A_18 : i32
    "tpu.region"() ({
      %run_scoped3A = tpu.sem_alloc : memref<!tpu.dma_semaphore, #tpu.memory_space<semaphore_mem>>
      %dma_start3A = tpu.memref_slice %arg14[%mul3A_19] : memref<1024xi32, #tpu.memory_space<vmem_shared>> -> memref<64xi32, #tpu.memory_space<vmem_shared>>
      %dma_start3A_521 = tpu.memref_slice %arg14[%mul3A_19] : memref<1024xi32, #tpu.memory_space<vmem_shared>> -> memref<64xi32, #tpu.memory_space<vmem_shared>>
      tpu.enqueue_dma source(%arg12 : memref<64xi32, #tpu.memory_space<vmem>>) target(%dma_start3A_521 : memref<64xi32, #tpu.memory_space<vmem_shared>>) target_semaphore(%run_scoped3A : memref<!tpu.dma_semaphore, #tpu.memory_space<semaphore_mem>>)
      %dma_wait3A = tpu.memref_slice %arg14[%mul3A_19] : memref<1024xi32, #tpu.memory_space<vmem_shared>> -> memref<64xi32, #tpu.memory_space<vmem_shared>>
      %dma_wait3A_522 = tpu.memref_slice %arg14[%mul3A_19] : memref<1024xi32, #tpu.memory_space<vmem_shared>> -> memref<64xi32, #tpu.memory_space<vmem_shared>>
      tpu.wait_dma2 semaphore(%run_scoped3A : memref<!tpu.dma_semaphore, #tpu.memory_space<semaphore_mem>>) src(%arg12 : memref<64xi32, #tpu.memory_space<vmem>>) dst(%dma_wait3A_522 : memref<64xi32, #tpu.memory_space<vmem_shared>>)
      tpu.yield
    }) : () -> ()
    %barrier3A = arith.constant 0 : index
    tpu.barrier barrier_id(%barrier3A)
    "tpu.region"() ({
      %run_scoped3A = tpu.sem_alloc : memref<!tpu.dma_semaphore, #tpu.memory_space<semaphore_mem>>
      tpu.enqueue_dma source(%arg14 : memref<1024xi32, #tpu.memory_space<vmem_shared>>) target(%arg13 : memref<1024xi32, #tpu.memory_space<vmem>>) target_semaphore(%run_scoped3A : memref<!tpu.dma_semaphore, #tpu.memory_space<semaphore_mem>>)
      tpu.wait_dma2 semaphore(%run_scoped3A : memref<!tpu.dma_semaphore, #tpu.memory_space<semaphore_mem>>) src(%arg14 : memref<1024xi32, #tpu.memory_space<vmem_shared>>) dst(%arg13 : memref<1024xi32, #tpu.memory_space<vmem>>)
      tpu.yield
    }) : () -> ()
    %jit3A = arith.constant 8 : i32
    %div3A = arith.divsi %arg1, %jit3A : i32
    %sign3A = arith.constant 0 : i32
    %sign3A_20 = arith.cmpi sgt, %arg1, %sign3A : i32
    %sign3A_21 = arith.extui %sign3A_20 : i1 to i32
    %sign3A_22 = arith.constant 0 : i32
    %sign3A_23 = arith.cmpi slt, %arg1, %sign3A_22 : i32
    %sign3A_24 = arith.extui %sign3A_23 : i1 to i32
    %sign3A_25 = arith.subi %sign3A_21, %sign3A_24 : i32
    %sign3A_26 = arith.constant 0 : i32
    %sign3A_27 = arith.cmpi sgt, %jit3A, %sign3A_26 : i32
    %sign3A_28 = arith.extui %sign3A_27 : i1 to i32
    %sign3A_29 = arith.constant 0 : i32
    %sign3A_30 = arith.cmpi slt, %jit3A, %sign3A_29 : i32
    %sign3A_31 = arith.extui %sign3A_30 : i1 to i32
    %sign3A_32 = arith.subi %sign3A_28, %sign3A_31 : i32
    %ne3A = arith.cmpi ne, %sign3A_25, %sign3A_32 : i32
    %rem3A = arith.remsi %arg1, %jit3A : i32
    %ne3A_33 = arith.constant 0 : i32
    %ne3A_34 = arith.cmpi ne, %rem3A, %ne3A_33 : i32
    %and3A = arith.andi %ne3A, %ne3A_34 : i1
    %sub3A = arith.constant 1 : i32
    %sub3A_35 = arith.subi %div3A, %sub3A : i32
    %select_n3A = arith.select %and3A, %sub3A_35, %div3A : i32
    %mul3A_36 = arith.constant 8 : i32
    %mul3A_37 = arith.muli %select_n3A, %mul3A_36 : i32
    %broadcast_in_dim3A_38 = arith.constant 0 : i32
    %broadcast_in_dim3A_39 = vector.broadcast %broadcast_in_dim3A_38 : i32 to vector<16xi32>
    %broadcast_in_dim3A_40 = arith.constant 0 : i32
    %broadcast_in_dim3A_41 = vector.broadcast %broadcast_in_dim3A_40 : i32 to vector<16xi32>
    %broadcast_in_dim3A_42 = arith.constant 0 : i32
    %broadcast_in_dim3A_43 = vector.broadcast %broadcast_in_dim3A_42 : i32 to vector<16xi32>
    %broadcast_in_dim3A_44 = arith.constant 0 : i32
    %broadcast_in_dim3A_45 = vector.broadcast %broadcast_in_dim3A_44 : i32 to vector<16xi32>
    %le3A = arith.constant 0 : i32
    %le3A_46 = arith.cmpi sle, %mul3A_37, %le3A : i32
    %gt3A = arith.constant 0 : i32
    %gt3A_47 = arith.cmpi sgt, %arg1, %gt3A : i32
    %and3A_48 = arith.andi %le3A_46, %gt3A_47 : i1
    %get3A = arith.constant 0 : index
    %get3A_49 = tpu.vector_load %arg13[%get3A] {strides = array<i32>} : memref<1024xi32, #tpu.memory_space<vmem>>, vector<16xi32>,
    %jit3A_50 = arith.constant 0 : i32
    %broadcast_in_dim3A_51 = vector.broadcast %jit3A_50 : i32 to vector<16xi32>
    %select_n3A_52 = arith.select %and3A_48, %get3A_49, %broadcast_in_dim3A_51 : vector<16xi32>
    %add3A_53 = arith.addi %broadcast_in_dim3A_39, %select_n3A_52 : vector<16xi32>
    %get3A_54 = arith.constant 16 : index
    %get3A_55 = tpu.vector_load %arg13[%get3A_54] {strides = array<i32>} : memref<1024xi32, #tpu.memory_space<vmem>>, vector<16xi32>,
    %jit3A_56 = arith.constant 0 : i32
    %broadcast_in_dim3A_57 = vector.broadcast %jit3A_56 : i32 to vector<16xi32>
    %select_n3A_58 = arith.select %and3A_48, %get3A_55, %broadcast_in_dim3A_57 : vector<16xi32>
    %add3A_59 = arith.addi %broadcast_in_dim3A_41, %select_n3A_58 : vector<16xi32>
    %get3A_60 = arith.constant 32 : index
    %get3A_61 = tpu.vector_load %arg13[%get3A_60] {strides = array<i32>} : memref<1024xi32, #tpu.memory_space<vmem>>, vector<16xi32>,
    %jit3A_62 = arith.constant 0 : i32
    %broadcast_in_dim3A_63 = vector.broadcast %jit3A_62 : i32 to vector<16xi32>
    %select_n3A_64 = arith.select %and3A_48, %get3A_61, %broadcast_in_dim3A_63 : vector<16xi32>
    %add3A_65 = arith.addi %broadcast_in_dim3A_43, %select_n3A_64 : vector<16xi32>
    %get3A_66 = arith.constant 48 : index
    %get3A_67 = tpu.vector_load %arg13[%get3A_66] {strides = array<i32>} : memref<1024xi32, #tpu.memory_space<vmem>>, vector<16xi32>,
    %jit3A_68 = arith.constant 0 : i32
    %broadcast_in_dim3A_69 = vector.broadcast %jit3A_68 : i32 to vector<16xi32>
    %select_n3A_70 = arith.select %and3A_48, %get3A_67, %broadcast_in_dim3A_69 : vector<16xi32>
    %add3A_71 = arith.addi %broadcast_in_dim3A_45, %select_n3A_70 : vector<16xi32>
    %le3A_72 = arith.constant 1 : i32
    %le3A_73 = arith.cmpi sle, %mul3A_37, %le3A_72 : i32
    %gt3A_74 = arith.constant 1 : i32
    %gt3A_75 = arith.cmpi sgt, %arg1, %gt3A_74 : i32
    %and3A_76 = arith.andi %le3A_73, %gt3A_75 : i1
    %get3A_77 = arith.constant 64 : index
    %get3A_78 = tpu.vector_load %arg13[%get3A_77] {strides = array<i32>} : memref<1024xi32, #tpu.memory_space<vmem>>, vector<16xi32>,
    %jit3A_79 = arith.constant 0 : i32
    %broadcast_in_dim3A_80 = vector.broadcast %jit3A_79 : i32 to vector<16xi32>
    %select_n3A_81 = arith.select %and3A_76, %get3A_78, %broadcast_in_dim3A_80 : vector<16xi32>
    %add3A_82 = arith.addi %add3A_53, %select_n3A_81 : vector<16xi32>
    %get3A_83 = arith.constant 80 : index
    %get3A_84 = tpu.vector_load %arg13[%get3A_83] {strides = array<i32>} : memref<1024xi32, #tpu.memory_space<vmem>>, vector<16xi32>,
    %jit3A_85 = arith.constant 0 : i32
    %broadcast_in_dim3A_86 = vector.broadcast %jit3A_85 : i32 to vector<16xi32>
    %select_n3A_87 = arith.select %and3A_76, %get3A_84, %broadcast_in_dim3A_86 : vector<16xi32>
    %add3A_88 = arith.addi %add3A_59, %select_n3A_87 : vector<16xi32>
    %get3A_89 = arith.constant 96 : index
    %get3A_90 = tpu.vector_load %arg13[%get3A_89] {strides = array<i32>} : memref<1024xi32, #tpu.memory_space<vmem>>, vector<16xi32>,
    %jit3A_91 = arith.constant 0 : i32
    %broadcast_in_dim3A_92 = vector.broadcast %jit3A_91 : i32 to vector<16xi32>
    %select_n3A_93 = arith.select %and3A_76, %get3A_90, %broadcast_in_dim3A_92 : vector<16xi32>
    %add3A_94 = arith.addi %add3A_65, %select_n3A_93 : vector<16xi32>
    %get3A_95 = arith.constant 112 : index
    %get3A_96 = tpu.vector_load %arg13[%get3A_95] {strides = array<i32>} : memref<1024xi32, #tpu.memory_space<vmem>>, vector<16xi32>,
    %jit3A_97 = arith.constant 0 : i32
    %broadcast_in_dim3A_98 = vector.broadcast %jit3A_97 : i32 to vector<16xi32>
    %select_n3A_99 = arith.select %and3A_76, %get3A_96, %broadcast_in_dim3A_98 : vector<16xi32>
    %add3A_100 = arith.addi %add3A_71, %select_n3A_99 : vector<16xi32>
    %le3A_101 = arith.constant 2 : i32
    %le3A_102 = arith.cmpi sle, %mul3A_37, %le3A_101 : i32
    %gt3A_103 = arith.constant 2 : i32
    %gt3A_104 = arith.cmpi sgt, %arg1, %gt3A_103 : i32
    %and3A_105 = arith.andi %le3A_102, %gt3A_104 : i1
    %get3A_106 = arith.constant 128 : index
    %get3A_107 = tpu.vector_load %arg13[%get3A_106] {strides = array<i32>} : memref<1024xi32, #tpu.memory_space<vmem>>, vector<16xi32>,
    %jit3A_108 = arith.constant 0 : i32
    %broadcast_in_dim3A_109 = vector.broadcast %jit3A_108 : i32 to vector<16xi32>
    %select_n3A_110 = arith.select %and3A_105, %get3A_107, %broadcast_in_dim3A_109 : vector<16xi32>
    %add3A_111 = arith.addi %add3A_82, %select_n3A_110 : vector<16xi32>
    %get3A_112 = arith.constant 144 : index
    %get3A_113 = tpu.vector_load %arg13[%get3A_112] {strides = array<i32>} : memref<1024xi32, #tpu.memory_space<vmem>>, vector<16xi32>,
    %jit3A_114 = arith.constant 0 : i32
    %broadcast_in_dim3A_115 = vector.broadcast %jit3A_114 : i32 to vector<16xi32>
    %select_n3A_116 = arith.select %and3A_105, %get3A_113, %broadcast_in_dim3A_115 : vector<16xi32>
    %add3A_117 = arith.addi %add3A_88, %select_n3A_116 : vector<16xi32>
    %get3A_118 = arith.constant 160 : index
    %get3A_119 = tpu.vector_load %arg13[%get3A_118] {strides = array<i32>} : memref<1024xi32, #tpu.memory_space<vmem>>, vector<16xi32>,
    %jit3A_120 = arith.constant 0 : i32
    %broadcast_in_dim3A_121 = vector.broadcast %jit3A_120 : i32 to vector<16xi32>
    %select_n3A_122 = arith.select %and3A_105, %get3A_119, %broadcast_in_dim3A_121 : vector<16xi32>
    %add3A_123 = arith.addi %add3A_94, %select_n3A_122 : vector<16xi32>
    %get3A_124 = arith.constant 176 : index
    %get3A_125 = tpu.vector_load %arg13[%get3A_124] {strides = array<i32>} : memref<1024xi32, #tpu.memory_space<vmem>>, vector<16xi32>,
    %jit3A_126 = arith.constant 0 : i32
    %broadcast_in_dim3A_127 = vector.broadcast %jit3A_126 : i32 to vector<16xi32>
    %select_n3A_128 = arith.select %and3A_105, %get3A_125, %broadcast_in_dim3A_127 : vector<16xi32>
    %add3A_129 = arith.addi %add3A_100, %select_n3A_128 : vector<16xi32>
    %le3A_130 = arith.constant 3 : i32
    %le3A_131 = arith.cmpi sle, %mul3A_37, %le3A_130 : i32
    %gt3A_132 = arith.constant 3 : i32
    %gt3A_133 = arith.cmpi sgt, %arg1, %gt3A_132 : i32
    %and3A_134 = arith.andi %le3A_131, %gt3A_133 : i1
    %get3A_135 = arith.constant 192 : index
    %get3A_136 = tpu.vector_load %arg13[%get3A_135] {strides = array<i32>} : memref<1024xi32, #tpu.memory_space<vmem>>, vector<16xi32>,
    %jit3A_137 = arith.constant 0 : i32
    %broadcast_in_dim3A_138 = vector.broadcast %jit3A_137 : i32 to vector<16xi32>
    %select_n3A_139 = arith.select %and3A_134, %get3A_136, %broadcast_in_dim3A_138 : vector<16xi32>
    %add3A_140 = arith.addi %add3A_111, %select_n3A_139 : vector<16xi32>
    %get3A_141 = arith.constant 208 : index
    %get3A_142 = tpu.vector_load %arg13[%get3A_141] {strides = array<i32>} : memref<1024xi32, #tpu.memory_space<vmem>>, vector<16xi32>,
    %jit3A_143 = arith.constant 0 : i32
    %broadcast_in_dim3A_144 = vector.broadcast %jit3A_143 : i32 to vector<16xi32>
    %select_n3A_145 = arith.select %and3A_134, %get3A_142, %broadcast_in_dim3A_144 : vector<16xi32>
    %add3A_146 = arith.addi %add3A_117, %select_n3A_145 : vector<16xi32>
    %get3A_147 = arith.constant 224 : index
    %get3A_148 = tpu.vector_load %arg13[%get3A_147] {strides = array<i32>} : memref<1024xi32, #tpu.memory_space<vmem>>, vector<16xi32>,
    %jit3A_149 = arith.constant 0 : i32
    %broadcast_in_dim3A_150 = vector.broadcast %jit3A_149 : i32 to vector<16xi32>
    %select_n3A_151 = arith.select %and3A_134, %get3A_148, %broadcast_in_dim3A_150 : vector<16xi32>
    %add3A_152 = arith.addi %add3A_123, %select_n3A_151 : vector<16xi32>
    %get3A_153 = arith.constant 240 : index
    %get3A_154 = tpu.vector_load %arg13[%get3A_153] {strides = array<i32>} : memref<1024xi32, #tpu.memory_space<vmem>>, vector<16xi32>,
    %jit3A_155 = arith.constant 0 : i32
    %broadcast_in_dim3A_156 = vector.broadcast %jit3A_155 : i32 to vector<16xi32>
    %select_n3A_157 = arith.select %and3A_134, %get3A_154, %broadcast_in_dim3A_156 : vector<16xi32>
    %add3A_158 = arith.addi %add3A_129, %select_n3A_157 : vector<16xi32>
    %le3A_159 = arith.constant 4 : i32
    %le3A_160 = arith.cmpi sle, %mul3A_37, %le3A_159 : i32
    %gt3A_161 = arith.constant 4 : i32
    %gt3A_162 = arith.cmpi sgt, %arg1, %gt3A_161 : i32
    %and3A_163 = arith.andi %le3A_160, %gt3A_162 : i1
    %get3A_164 = arith.constant 256 : index
    %get3A_165 = tpu.vector_load %arg13[%get3A_164] {strides = array<i32>} : memref<1024xi32, #tpu.memory_space<vmem>>, vector<16xi32>,
    %jit3A_166 = arith.constant 0 : i32
    %broadcast_in_dim3A_167 = vector.broadcast %jit3A_166 : i32 to vector<16xi32>
    %select_n3A_168 = arith.select %and3A_163, %get3A_165, %broadcast_in_dim3A_167 : vector<16xi32>
    %add3A_169 = arith.addi %add3A_140, %select_n3A_168 : vector<16xi32>
    %get3A_170 = arith.constant 272 : index
    %get3A_171 = tpu.vector_load %arg13[%get3A_170] {strides = array<i32>} : memref<1024xi32, #tpu.memory_space<vmem>>, vector<16xi32>,
    %jit3A_172 = arith.constant 0 : i32
    %broadcast_in_dim3A_173 = vector.broadcast %jit3A_172 : i32 to vector<16xi32>
    %select_n3A_174 = arith.select %and3A_163, %get3A_171, %broadcast_in_dim3A_173 : vector<16xi32>
    %add3A_175 = arith.addi %add3A_146, %select_n3A_174 : vector<16xi32>
    %get3A_176 = arith.constant 288 : index
    %get3A_177 = tpu.vector_load %arg13[%get3A_176] {strides = array<i32>} : memref<1024xi32, #tpu.memory_space<vmem>>, vector<16xi32>,
    %jit3A_178 = arith.constant 0 : i32
    %broadcast_in_dim3A_179 = vector.broadcast %jit3A_178 : i32 to vector<16xi32>
    %select_n3A_180 = arith.select %and3A_163, %get3A_177, %broadcast_in_dim3A_179 : vector<16xi32>
    %add3A_181 = arith.addi %add3A_152, %select_n3A_180 : vector<16xi32>
    %get3A_182 = arith.constant 304 : index
    %get3A_183 = tpu.vector_load %arg13[%get3A_182] {strides = array<i32>} : memref<1024xi32, #tpu.memory_space<vmem>>, vector<16xi32>,
    %jit3A_184 = arith.constant 0 : i32
    %broadcast_in_dim3A_185 = vector.broadcast %jit3A_184 : i32 to vector<16xi32>
    %select_n3A_186 = arith.select %and3A_163, %get3A_183, %broadcast_in_dim3A_185 : vector<16xi32>
    %add3A_187 = arith.addi %add3A_158, %select_n3A_186 : vector<16xi32>
    %le3A_188 = arith.constant 5 : i32
    %le3A_189 = arith.cmpi sle, %mul3A_37, %le3A_188 : i32
    %gt3A_190 = arith.constant 5 : i32
    %gt3A_191 = arith.cmpi sgt, %arg1, %gt3A_190 : i32
    %and3A_192 = arith.andi %le3A_189, %gt3A_191 : i1
    %get3A_193 = arith.constant 320 : index
    %get3A_194 = tpu.vector_load %arg13[%get3A_193] {strides = array<i32>} : memref<1024xi32, #tpu.memory_space<vmem>>, vector<16xi32>,
    %jit3A_195 = arith.constant 0 : i32
    %broadcast_in_dim3A_196 = vector.broadcast %jit3A_195 : i32 to vector<16xi32>
    %select_n3A_197 = arith.select %and3A_192, %get3A_194, %broadcast_in_dim3A_196 : vector<16xi32>
    %add3A_198 = arith.addi %add3A_169, %select_n3A_197 : vector<16xi32>
    %get3A_199 = arith.constant 336 : index
    %get3A_200 = tpu.vector_load %arg13[%get3A_199] {strides = array<i32>} : memref<1024xi32, #tpu.memory_space<vmem>>, vector<16xi32>,
    %jit3A_201 = arith.constant 0 : i32
    %broadcast_in_dim3A_202 = vector.broadcast %jit3A_201 : i32 to vector<16xi32>
    %select_n3A_203 = arith.select %and3A_192, %get3A_200, %broadcast_in_dim3A_202 : vector<16xi32>
    %add3A_204 = arith.addi %add3A_175, %select_n3A_203 : vector<16xi32>
    %get3A_205 = arith.constant 352 : index
    %get3A_206 = tpu.vector_load %arg13[%get3A_205] {strides = array<i32>} : memref<1024xi32, #tpu.memory_space<vmem>>, vector<16xi32>,
    %jit3A_207 = arith.constant 0 : i32
    %broadcast_in_dim3A_208 = vector.broadcast %jit3A_207 : i32 to vector<16xi32>
    %select_n3A_209 = arith.select %and3A_192, %get3A_206, %broadcast_in_dim3A_208 : vector<16xi32>
    %add3A_210 = arith.addi %add3A_181, %select_n3A_209 : vector<16xi32>
    %get3A_211 = arith.constant 368 : index
    %get3A_212 = tpu.vector_load %arg13[%get3A_211] {strides = array<i32>} : memref<1024xi32, #tpu.memory_space<vmem>>, vector<16xi32>,
    %jit3A_213 = arith.constant 0 : i32
    %broadcast_in_dim3A_214 = vector.broadcast %jit3A_213 : i32 to vector<16xi32>
    %select_n3A_215 = arith.select %and3A_192, %get3A_212, %broadcast_in_dim3A_214 : vector<16xi32>
    %add3A_216 = arith.addi %add3A_187, %select_n3A_215 : vector<16xi32>
    %le3A_217 = arith.constant 6 : i32
    %le3A_218 = arith.cmpi sle, %mul3A_37, %le3A_217 : i32
    %gt3A_219 = arith.constant 6 : i32
    %gt3A_220 = arith.cmpi sgt, %arg1, %gt3A_219 : i32
    %and3A_221 = arith.andi %le3A_218, %gt3A_220 : i1
    %get3A_222 = arith.constant 384 : index
    %get3A_223 = tpu.vector_load %arg13[%get3A_222] {strides = array<i32>} : memref<1024xi32, #tpu.memory_space<vmem>>, vector<16xi32>,
    %jit3A_224 = arith.constant 0 : i32
    %broadcast_in_dim3A_225 = vector.broadcast %jit3A_224 : i32 to vector<16xi32>
    %select_n3A_226 = arith.select %and3A_221, %get3A_223, %broadcast_in_dim3A_225 : vector<16xi32>
    %add3A_227 = arith.addi %add3A_198, %select_n3A_226 : vector<16xi32>
    %get3A_228 = arith.constant 400 : index
    %get3A_229 = tpu.vector_load %arg13[%get3A_228] {strides = array<i32>} : memref<1024xi32, #tpu.memory_space<vmem>>, vector<16xi32>,
    %jit3A_230 = arith.constant 0 : i32
    %broadcast_in_dim3A_231 = vector.broadcast %jit3A_230 : i32 to vector<16xi32>
    %select_n3A_232 = arith.select %and3A_221, %get3A_229, %broadcast_in_dim3A_231 : vector<16xi32>
    %add3A_233 = arith.addi %add3A_204, %select_n3A_232 : vector<16xi32>
    %get3A_234 = arith.constant 416 : index
    %get3A_235 = tpu.vector_load %arg13[%get3A_234] {strides = array<i32>} : memref<1024xi32, #tpu.memory_space<vmem>>, vector<16xi32>,
    %jit3A_236 = arith.constant 0 : i32
    %broadcast_in_dim3A_237 = vector.broadcast %jit3A_236 : i32 to vector<16xi32>
    %select_n3A_238 = arith.select %and3A_221, %get3A_235, %broadcast_in_dim3A_237 : vector<16xi32>
    %add3A_239 = arith.addi %add3A_210, %select_n3A_238 : vector<16xi32>
    %get3A_240 = arith.constant 432 : index
    %get3A_241 = tpu.vector_load %arg13[%get3A_240] {strides = array<i32>} : memref<1024xi32, #tpu.memory_space<vmem>>, vector<16xi32>,
    %jit3A_242 = arith.constant 0 : i32
    %broadcast_in_dim3A_243 = vector.broadcast %jit3A_242 : i32 to vector<16xi32>
    %select_n3A_244 = arith.select %and3A_221, %get3A_241, %broadcast_in_dim3A_243 : vector<16xi32>
    %add3A_245 = arith.addi %add3A_216, %select_n3A_244 : vector<16xi32>
    %le3A_246 = arith.constant 7 : i32
    %le3A_247 = arith.cmpi sle, %mul3A_37, %le3A_246 : i32
    %gt3A_248 = arith.constant 7 : i32
    %gt3A_249 = arith.cmpi sgt, %arg1, %gt3A_248 : i32
    %and3A_250 = arith.andi %le3A_247, %gt3A_249 : i1
    %get3A_251 = arith.constant 448 : index
    %get3A_252 = tpu.vector_load %arg13[%get3A_251] {strides = array<i32>} : memref<1024xi32, #tpu.memory_space<vmem>>, vector<16xi32>,
    %jit3A_253 = arith.constant 0 : i32
    %broadcast_in_dim3A_254 = vector.broadcast %jit3A_253 : i32 to vector<16xi32>
    %select_n3A_255 = arith.select %and3A_250, %get3A_252, %broadcast_in_dim3A_254 : vector<16xi32>
    %add3A_256 = arith.addi %add3A_227, %select_n3A_255 : vector<16xi32>
    %get3A_257 = arith.constant 464 : index
    %get3A_258 = tpu.vector_load %arg13[%get3A_257] {strides = array<i32>} : memref<1024xi32, #tpu.memory_space<vmem>>, vector<16xi32>,
    %jit3A_259 = arith.constant 0 : i32
    %broadcast_in_dim3A_260 = vector.broadcast %jit3A_259 : i32 to vector<16xi32>
    %select_n3A_261 = arith.select %and3A_250, %get3A_258, %broadcast_in_dim3A_260 : vector<16xi32>
    %add3A_262 = arith.addi %add3A_233, %select_n3A_261 : vector<16xi32>
    %get3A_263 = arith.constant 480 : index
    %get3A_264 = tpu.vector_load %arg13[%get3A_263] {strides = array<i32>} : memref<1024xi32, #tpu.memory_space<vmem>>, vector<16xi32>,
    %jit3A_265 = arith.constant 0 : i32
    %broadcast_in_dim3A_266 = vector.broadcast %jit3A_265 : i32 to vector<16xi32>
    %select_n3A_267 = arith.select %and3A_250, %get3A_264, %broadcast_in_dim3A_266 : vector<16xi32>
    %add3A_268 = arith.addi %add3A_239, %select_n3A_267 : vector<16xi32>
    %get3A_269 = arith.constant 496 : index
    %get3A_270 = tpu.vector_load %arg13[%get3A_269] {strides = array<i32>} : memref<1024xi32, #tpu.memory_space<vmem>>, vector<16xi32>,
    %jit3A_271 = arith.constant 0 : i32
    %broadcast_in_dim3A_272 = vector.broadcast %jit3A_271 : i32 to vector<16xi32>
    %select_n3A_273 = arith.select %and3A_250, %get3A_270, %broadcast_in_dim3A_272 : vector<16xi32>
    %add3A_274 = arith.addi %add3A_245, %select_n3A_273 : vector<16xi32>
    %le3A_275 = arith.constant 8 : i32
    %le3A_276 = arith.cmpi sle, %mul3A_37, %le3A_275 : i32
    %gt3A_277 = arith.constant 8 : i32
    %gt3A_278 = arith.cmpi sgt, %arg1, %gt3A_277 : i32
    %and3A_279 = arith.andi %le3A_276, %gt3A_278 : i1
    %get3A_280 = arith.constant 512 : index
    %get3A_281 = tpu.vector_load %arg13[%get3A_280] {strides = array<i32>} : memref<1024xi32, #tpu.memory_space<vmem>>, vector<16xi32>,
    %jit3A_282 = arith.constant 0 : i32
    %broadcast_in_dim3A_283 = vector.broadcast %jit3A_282 : i32 to vector<16xi32>
    %select_n3A_284 = arith.select %and3A_279, %get3A_281, %broadcast_in_dim3A_283 : vector<16xi32>
    %add3A_285 = arith.addi %add3A_256, %select_n3A_284 : vector<16xi32>
    %get3A_286 = arith.constant 528 : index
    %get3A_287 = tpu.vector_load %arg13[%get3A_286] {strides = array<i32>} : memref<1024xi32, #tpu.memory_space<vmem>>, vector<16xi32>,
    %jit3A_288 = arith.constant 0 : i32
    %broadcast_in_dim3A_289 = vector.broadcast %jit3A_288 : i32 to vector<16xi32>
    %select_n3A_290 = arith.select %and3A_279, %get3A_287, %broadcast_in_dim3A_289 : vector<16xi32>
    %add3A_291 = arith.addi %add3A_262, %select_n3A_290 : vector<16xi32>
    %get3A_292 = arith.constant 544 : index
    %get3A_293 = tpu.vector_load %arg13[%get3A_292] {strides = array<i32>} : memref<1024xi32, #tpu.memory_space<vmem>>, vector<16xi32>,
    %jit3A_294 = arith.constant 0 : i32
    %broadcast_in_dim3A_295 = vector.broadcast %jit3A_294 : i32 to vector<16xi32>
    %select_n3A_296 = arith.select %and3A_279, %get3A_293, %broadcast_in_dim3A_295 : vector<16xi32>
    %add3A_297 = arith.addi %add3A_268, %select_n3A_296 : vector<16xi32>
    %get3A_298 = arith.constant 560 : index
    %get3A_299 = tpu.vector_load %arg13[%get3A_298] {strides = array<i32>} : memref<1024xi32, #tpu.memory_space<vmem>>, vector<16xi32>,
    %jit3A_300 = arith.constant 0 : i32
    %broadcast_in_dim3A_301 = vector.broadcast %jit3A_300 : i32 to vector<16xi32>
    %select_n3A_302 = arith.select %and3A_279, %get3A_299, %broadcast_in_dim3A_301 : vector<16xi32>
    %add3A_303 = arith.addi %add3A_274, %select_n3A_302 : vector<16xi32>
    %le3A_304 = arith.constant 9 : i32
    %le3A_305 = arith.cmpi sle, %mul3A_37, %le3A_304 : i32
    %gt3A_306 = arith.constant 9 : i32
    %gt3A_307 = arith.cmpi sgt, %arg1, %gt3A_306 : i32
    %and3A_308 = arith.andi %le3A_305, %gt3A_307 : i1
    %get3A_309 = arith.constant 576 : index
    %get3A_310 = tpu.vector_load %arg13[%get3A_309] {strides = array<i32>} : memref<1024xi32, #tpu.memory_space<vmem>>, vector<16xi32>,
    %jit3A_311 = arith.constant 0 : i32
    %broadcast_in_dim3A_312 = vector.broadcast %jit3A_311 : i32 to vector<16xi32>
    %select_n3A_313 = arith.select %and3A_308, %get3A_310, %broadcast_in_dim3A_312 : vector<16xi32>
    %add3A_314 = arith.addi %add3A_285, %select_n3A_313 : vector<16xi32>
    %get3A_315 = arith.constant 592 : index
    %get3A_316 = tpu.vector_load %arg13[%get3A_315] {strides = array<i32>} : memref<1024xi32, #tpu.memory_space<vmem>>, vector<16xi32>,
    %jit3A_317 = arith.constant 0 : i32
    %broadcast_in_dim3A_318 = vector.broadcast %jit3A_317 : i32 to vector<16xi32>
    %select_n3A_319 = arith.select %and3A_308, %get3A_316, %broadcast_in_dim3A_318 : vector<16xi32>
    %add3A_320 = arith.addi %add3A_291, %select_n3A_319 : vector<16xi32>
    %get3A_321 = arith.constant 608 : index
    %get3A_322 = tpu.vector_load %arg13[%get3A_321] {strides = array<i32>} : memref<1024xi32, #tpu.memory_space<vmem>>, vector<16xi32>,
    %jit3A_323 = arith.constant 0 : i32
    %broadcast_in_dim3A_324 = vector.broadcast %jit3A_323 : i32 to vector<16xi32>
    %select_n3A_325 = arith.select %and3A_308, %get3A_322, %broadcast_in_dim3A_324 : vector<16xi32>
    %add3A_326 = arith.addi %add3A_297, %select_n3A_325 : vector<16xi32>
    %get3A_327 = arith.constant 624 : index
    %get3A_328 = tpu.vector_load %arg13[%get3A_327] {strides = array<i32>} : memref<1024xi32, #tpu.memory_space<vmem>>, vector<16xi32>,
    %jit3A_329 = arith.constant 0 : i32
    %broadcast_in_dim3A_330 = vector.broadcast %jit3A_329 : i32 to vector<16xi32>
    %select_n3A_331 = arith.select %and3A_308, %get3A_328, %broadcast_in_dim3A_330 : vector<16xi32>
    %add3A_332 = arith.addi %add3A_303, %select_n3A_331 : vector<16xi32>
    %le3A_333 = arith.constant 10 : i32
    %le3A_334 = arith.cmpi sle, %mul3A_37, %le3A_333 : i32
    %gt3A_335 = arith.constant 10 : i32
    %gt3A_336 = arith.cmpi sgt, %arg1, %gt3A_335 : i32
    %and3A_337 = arith.andi %le3A_334, %gt3A_336 : i1
    %get3A_338 = arith.constant 640 : index
    %get3A_339 = tpu.vector_load %arg13[%get3A_338] {strides = array<i32>} : memref<1024xi32, #tpu.memory_space<vmem>>, vector<16xi32>,
    %jit3A_340 = arith.constant 0 : i32
    %broadcast_in_dim3A_341 = vector.broadcast %jit3A_340 : i32 to vector<16xi32>
    %select_n3A_342 = arith.select %and3A_337, %get3A_339, %broadcast_in_dim3A_341 : vector<16xi32>
    %add3A_343 = arith.addi %add3A_314, %select_n3A_342 : vector<16xi32>
    %get3A_344 = arith.constant 656 : index
    %get3A_345 = tpu.vector_load %arg13[%get3A_344] {strides = array<i32>} : memref<1024xi32, #tpu.memory_space<vmem>>, vector<16xi32>,
    %jit3A_346 = arith.constant 0 : i32
    %broadcast_in_dim3A_347 = vector.broadcast %jit3A_346 : i32 to vector<16xi32>
    %select_n3A_348 = arith.select %and3A_337, %get3A_345, %broadcast_in_dim3A_347 : vector<16xi32>
    %add3A_349 = arith.addi %add3A_320, %select_n3A_348 : vector<16xi32>
    %get3A_350 = arith.constant 672 : index
    %get3A_351 = tpu.vector_load %arg13[%get3A_350] {strides = array<i32>} : memref<1024xi32, #tpu.memory_space<vmem>>, vector<16xi32>,
    %jit3A_352 = arith.constant 0 : i32
    %broadcast_in_dim3A_353 = vector.broadcast %jit3A_352 : i32 to vector<16xi32>
    %select_n3A_354 = arith.select %and3A_337, %get3A_351, %broadcast_in_dim3A_353 : vector<16xi32>
    %add3A_355 = arith.addi %add3A_326, %select_n3A_354 : vector<16xi32>
    %get3A_356 = arith.constant 688 : index
    %get3A_357 = tpu.vector_load %arg13[%get3A_356] {strides = array<i32>} : memref<1024xi32, #tpu.memory_space<vmem>>, vector<16xi32>,
    %jit3A_358 = arith.constant 0 : i32
    %broadcast_in_dim3A_359 = vector.broadcast %jit3A_358 : i32 to vector<16xi32>
    %select_n3A_360 = arith.select %and3A_337, %get3A_357, %broadcast_in_dim3A_359 : vector<16xi32>
    %add3A_361 = arith.addi %add3A_332, %select_n3A_360 : vector<16xi32>
    %le3A_362 = arith.constant 11 : i32
    %le3A_363 = arith.cmpi sle, %mul3A_37, %le3A_362 : i32
    %gt3A_364 = arith.constant 11 : i32
    %gt3A_365 = arith.cmpi sgt, %arg1, %gt3A_364 : i32
    %and3A_366 = arith.andi %le3A_363, %gt3A_365 : i1
    %get3A_367 = arith.constant 704 : index
    %get3A_368 = tpu.vector_load %arg13[%get3A_367] {strides = array<i32>} : memref<1024xi32, #tpu.memory_space<vmem>>, vector<16xi32>,
    %jit3A_369 = arith.constant 0 : i32
    %broadcast_in_dim3A_370 = vector.broadcast %jit3A_369 : i32 to vector<16xi32>
    %select_n3A_371 = arith.select %and3A_366, %get3A_368, %broadcast_in_dim3A_370 : vector<16xi32>
    %add3A_372 = arith.addi %add3A_343, %select_n3A_371 : vector<16xi32>
    %get3A_373 = arith.constant 720 : index
    %get3A_374 = tpu.vector_load %arg13[%get3A_373] {strides = array<i32>} : memref<1024xi32, #tpu.memory_space<vmem>>, vector<16xi32>,
    %jit3A_375 = arith.constant 0 : i32
    %broadcast_in_dim3A_376 = vector.broadcast %jit3A_375 : i32 to vector<16xi32>
    %select_n3A_377 = arith.select %and3A_366, %get3A_374, %broadcast_in_dim3A_376 : vector<16xi32>
    %add3A_378 = arith.addi %add3A_349, %select_n3A_377 : vector<16xi32>
    %get3A_379 = arith.constant 736 : index
    %get3A_380 = tpu.vector_load %arg13[%get3A_379] {strides = array<i32>} : memref<1024xi32, #tpu.memory_space<vmem>>, vector<16xi32>,
    %jit3A_381 = arith.constant 0 : i32
    %broadcast_in_dim3A_382 = vector.broadcast %jit3A_381 : i32 to vector<16xi32>
    %select_n3A_383 = arith.select %and3A_366, %get3A_380, %broadcast_in_dim3A_382 : vector<16xi32>
    %add3A_384 = arith.addi %add3A_355, %select_n3A_383 : vector<16xi32>
    %get3A_385 = arith.constant 752 : index
    %get3A_386 = tpu.vector_load %arg13[%get3A_385] {strides = array<i32>} : memref<1024xi32, #tpu.memory_space<vmem>>, vector<16xi32>,
    %jit3A_387 = arith.constant 0 : i32
    %broadcast_in_dim3A_388 = vector.broadcast %jit3A_387 : i32 to vector<16xi32>
    %select_n3A_389 = arith.select %and3A_366, %get3A_386, %broadcast_in_dim3A_388 : vector<16xi32>
    %add3A_390 = arith.addi %add3A_361, %select_n3A_389 : vector<16xi32>
    %le3A_391 = arith.constant 12 : i32
    %le3A_392 = arith.cmpi sle, %mul3A_37, %le3A_391 : i32
    %gt3A_393 = arith.constant 12 : i32
    %gt3A_394 = arith.cmpi sgt, %arg1, %gt3A_393 : i32
    %and3A_395 = arith.andi %le3A_392, %gt3A_394 : i1
    %get3A_396 = arith.constant 768 : index
    %get3A_397 = tpu.vector_load %arg13[%get3A_396] {strides = array<i32>} : memref<1024xi32, #tpu.memory_space<vmem>>, vector<16xi32>,
    %jit3A_398 = arith.constant 0 : i32
    %broadcast_in_dim3A_399 = vector.broadcast %jit3A_398 : i32 to vector<16xi32>
    %select_n3A_400 = arith.select %and3A_395, %get3A_397, %broadcast_in_dim3A_399 : vector<16xi32>
    %add3A_401 = arith.addi %add3A_372, %select_n3A_400 : vector<16xi32>
    %get3A_402 = arith.constant 784 : index
    %get3A_403 = tpu.vector_load %arg13[%get3A_402] {strides = array<i32>} : memref<1024xi32, #tpu.memory_space<vmem>>, vector<16xi32>,
    %jit3A_404 = arith.constant 0 : i32
    %broadcast_in_dim3A_405 = vector.broadcast %jit3A_404 : i32 to vector<16xi32>
    %select_n3A_406 = arith.select %and3A_395, %get3A_403, %broadcast_in_dim3A_405 : vector<16xi32>
    %add3A_407 = arith.addi %add3A_378, %select_n3A_406 : vector<16xi32>
    %get3A_408 = arith.constant 800 : index
    %get3A_409 = tpu.vector_load %arg13[%get3A_408] {strides = array<i32>} : memref<1024xi32, #tpu.memory_space<vmem>>, vector<16xi32>,
    %jit3A_410 = arith.constant 0 : i32
    %broadcast_in_dim3A_411 = vector.broadcast %jit3A_410 : i32 to vector<16xi32>
    %select_n3A_412 = arith.select %and3A_395, %get3A_409, %broadcast_in_dim3A_411 : vector<16xi32>
    %add3A_413 = arith.addi %add3A_384, %select_n3A_412 : vector<16xi32>
    %get3A_414 = arith.constant 816 : index
    %get3A_415 = tpu.vector_load %arg13[%get3A_414] {strides = array<i32>} : memref<1024xi32, #tpu.memory_space<vmem>>, vector<16xi32>,
    %jit3A_416 = arith.constant 0 : i32
    %broadcast_in_dim3A_417 = vector.broadcast %jit3A_416 : i32 to vector<16xi32>
    %select_n3A_418 = arith.select %and3A_395, %get3A_415, %broadcast_in_dim3A_417 : vector<16xi32>
    %add3A_419 = arith.addi %add3A_390, %select_n3A_418 : vector<16xi32>
    %le3A_420 = arith.constant 13 : i32
    %le3A_421 = arith.cmpi sle, %mul3A_37, %le3A_420 : i32
    %gt3A_422 = arith.constant 13 : i32
    %gt3A_423 = arith.cmpi sgt, %arg1, %gt3A_422 : i32
    %and3A_424 = arith.andi %le3A_421, %gt3A_423 : i1
    %get3A_425 = arith.constant 832 : index
    %get3A_426 = tpu.vector_load %arg13[%get3A_425] {strides = array<i32>} : memref<1024xi32, #tpu.memory_space<vmem>>, vector<16xi32>,
    %jit3A_427 = arith.constant 0 : i32
    %broadcast_in_dim3A_428 = vector.broadcast %jit3A_427 : i32 to vector<16xi32>
    %select_n3A_429 = arith.select %and3A_424, %get3A_426, %broadcast_in_dim3A_428 : vector<16xi32>
    %add3A_430 = arith.addi %add3A_401, %select_n3A_429 : vector<16xi32>
    %get3A_431 = arith.constant 848 : index
    %get3A_432 = tpu.vector_load %arg13[%get3A_431] {strides = array<i32>} : memref<1024xi32, #tpu.memory_space<vmem>>, vector<16xi32>,
    %jit3A_433 = arith.constant 0 : i32
    %broadcast_in_dim3A_434 = vector.broadcast %jit3A_433 : i32 to vector<16xi32>
    %select_n3A_435 = arith.select %and3A_424, %get3A_432, %broadcast_in_dim3A_434 : vector<16xi32>
    %add3A_436 = arith.addi %add3A_407, %select_n3A_435 : vector<16xi32>
    %get3A_437 = arith.constant 864 : index
    %get3A_438 = tpu.vector_load %arg13[%get3A_437] {strides = array<i32>} : memref<1024xi32, #tpu.memory_space<vmem>>, vector<16xi32>,
    %jit3A_439 = arith.constant 0 : i32
    %broadcast_in_dim3A_440 = vector.broadcast %jit3A_439 : i32 to vector<16xi32>
    %select_n3A_441 = arith.select %and3A_424, %get3A_438, %broadcast_in_dim3A_440 : vector<16xi32>
    %add3A_442 = arith.addi %add3A_413, %select_n3A_441 : vector<16xi32>
    %get3A_443 = arith.constant 880 : index
    %get3A_444 = tpu.vector_load %arg13[%get3A_443] {strides = array<i32>} : memref<1024xi32, #tpu.memory_space<vmem>>, vector<16xi32>,
    %jit3A_445 = arith.constant 0 : i32
    %broadcast_in_dim3A_446 = vector.broadcast %jit3A_445 : i32 to vector<16xi32>
    %select_n3A_447 = arith.select %and3A_424, %get3A_444, %broadcast_in_dim3A_446 : vector<16xi32>
    %add3A_448 = arith.addi %add3A_419, %select_n3A_447 : vector<16xi32>
    %le3A_449 = arith.constant 14 : i32
    %le3A_450 = arith.cmpi sle, %mul3A_37, %le3A_449 : i32
    %gt3A_451 = arith.constant 14 : i32
    %gt3A_452 = arith.cmpi sgt, %arg1, %gt3A_451 : i32
    %and3A_453 = arith.andi %le3A_450, %gt3A_452 : i1
    %get3A_454 = arith.constant 896 : index
    %get3A_455 = tpu.vector_load %arg13[%get3A_454] {strides = array<i32>} : memref<1024xi32, #tpu.memory_space<vmem>>, vector<16xi32>,
    %jit3A_456 = arith.constant 0 : i32
    %broadcast_in_dim3A_457 = vector.broadcast %jit3A_456 : i32 to vector<16xi32>
    %select_n3A_458 = arith.select %and3A_453, %get3A_455, %broadcast_in_dim3A_457 : vector<16xi32>
    %add3A_459 = arith.addi %add3A_430, %select_n3A_458 : vector<16xi32>
    %get3A_460 = arith.constant 912 : index
    %get3A_461 = tpu.vector_load %arg13[%get3A_460] {strides = array<i32>} : memref<1024xi32, #tpu.memory_space<vmem>>, vector<16xi32>,
    %jit3A_462 = arith.constant 0 : i32
    %broadcast_in_dim3A_463 = vector.broadcast %jit3A_462 : i32 to vector<16xi32>
    %select_n3A_464 = arith.select %and3A_453, %get3A_461, %broadcast_in_dim3A_463 : vector<16xi32>
    %add3A_465 = arith.addi %add3A_436, %select_n3A_464 : vector<16xi32>
    %get3A_466 = arith.constant 928 : index
    %get3A_467 = tpu.vector_load %arg13[%get3A_466] {strides = array<i32>} : memref<1024xi32, #tpu.memory_space<vmem>>, vector<16xi32>,
    %jit3A_468 = arith.constant 0 : i32
    %broadcast_in_dim3A_469 = vector.broadcast %jit3A_468 : i32 to vector<16xi32>
    %select_n3A_470 = arith.select %and3A_453, %get3A_467, %broadcast_in_dim3A_469 : vector<16xi32>
    %add3A_471 = arith.addi %add3A_442, %select_n3A_470 : vector<16xi32>
    %get3A_472 = arith.constant 944 : index
    %get3A_473 = tpu.vector_load %arg13[%get3A_472] {strides = array<i32>} : memref<1024xi32, #tpu.memory_space<vmem>>, vector<16xi32>,
    %jit3A_474 = arith.constant 0 : i32
    %broadcast_in_dim3A_475 = vector.broadcast %jit3A_474 : i32 to vector<16xi32>
    %select_n3A_476 = arith.select %and3A_453, %get3A_473, %broadcast_in_dim3A_475 : vector<16xi32>
    %add3A_477 = arith.addi %add3A_448, %select_n3A_476 : vector<16xi32>
    %le3A_478 = arith.constant 15 : i32
    %le3A_479 = arith.cmpi sle, %mul3A_37, %le3A_478 : i32
    %gt3A_480 = arith.constant 15 : i32
    %gt3A_481 = arith.cmpi sgt, %arg1, %gt3A_480 : i32
    %and3A_482 = arith.andi %le3A_479, %gt3A_481 : i1
    %get3A_483 = arith.constant 960 : index
    %get3A_484 = tpu.vector_load %arg13[%get3A_483] {strides = array<i32>} : memref<1024xi32, #tpu.memory_space<vmem>>, vector<16xi32>,
    %jit3A_485 = arith.constant 0 : i32
    %broadcast_in_dim3A_486 = vector.broadcast %jit3A_485 : i32 to vector<16xi32>
    %select_n3A_487 = arith.select %and3A_482, %get3A_484, %broadcast_in_dim3A_486 : vector<16xi32>
    %add3A_488 = arith.addi %add3A_459, %select_n3A_487 : vector<16xi32>
    %get3A_489 = arith.constant 976 : index
    %get3A_490 = tpu.vector_load %arg13[%get3A_489] {strides = array<i32>} : memref<1024xi32, #tpu.memory_space<vmem>>, vector<16xi32>,
    %jit3A_491 = arith.constant 0 : i32
    %broadcast_in_dim3A_492 = vector.broadcast %jit3A_491 : i32 to vector<16xi32>
    %select_n3A_493 = arith.select %and3A_482, %get3A_490, %broadcast_in_dim3A_492 : vector<16xi32>
    %add3A_494 = arith.addi %add3A_465, %select_n3A_493 : vector<16xi32>
    %get3A_495 = arith.constant 992 : index
    %get3A_496 = tpu.vector_load %arg13[%get3A_495] {strides = array<i32>} : memref<1024xi32, #tpu.memory_space<vmem>>, vector<16xi32>,
    %jit3A_497 = arith.constant 0 : i32
    %broadcast_in_dim3A_498 = vector.broadcast %jit3A_497 : i32 to vector<16xi32>
    %select_n3A_499 = arith.select %and3A_482, %get3A_496, %broadcast_in_dim3A_498 : vector<16xi32>
    %add3A_500 = arith.addi %add3A_471, %select_n3A_499 : vector<16xi32>
    %get3A_501 = arith.constant 1008 : index
    %get3A_502 = tpu.vector_load %arg13[%get3A_501] {strides = array<i32>} : memref<1024xi32, #tpu.memory_space<vmem>>, vector<16xi32>,
    %jit3A_503 = arith.constant 0 : i32
    %broadcast_in_dim3A_504 = vector.broadcast %jit3A_503 : i32 to vector<16xi32>
    %select_n3A_505 = arith.select %and3A_482, %get3A_502, %broadcast_in_dim3A_504 : vector<16xi32>
    %add3A_506 = arith.addi %add3A_477, %select_n3A_505 : vector<16xi32>
    %scan3A_507 = arith.constant 0 : i32
    %scan3A_508 = arith.constant 256 : i32
    %scan3A_509 = arith.addi %scan3A_507, %scan3A_508 : i32
    %scan3A_510 = arith.constant 1 : i32
    %scan3A_511:4 = scf.for %scan3A_521 = %scan3A_507 to %scan3A_509 step %scan3A_510 iter_args(%scan3A_522 = %add3A_488, %scan3A_523 = %add3A_494, %scan3A_524 = %add3A_500, %scan3A_525 = %add3A_506) -> (vector<16xi32>, vector<16xi32>, vector<16xi32>, vector<16xi32>)  : i32 {
      %mul3A_526 = arith.constant 64 : i32
      %mul3A_527 = arith.muli %scan3A_521, %mul3A_526 : i32
      %get3A_528 = arith.index_cast %mul3A_527 : i32 to index
      %get3A_529 = tpu.vector_load %arg8[%get3A_528] {strides = array<i32>} : memref<16384xi32, #tpu.memory_space<vmem>>, vector<16xi32>,
      %add3A_530 = arith.constant 16 : i32
      %add3A_531 = arith.addi %mul3A_527, %add3A_530 : i32
      %get3A_532 = arith.index_cast %add3A_531 : i32 to index
      %get3A_533 = tpu.vector_load %arg8[%get3A_532] {strides = array<i32>} : memref<16384xi32, #tpu.memory_space<vmem>>, vector<16xi32>,
      %add3A_534 = arith.constant 32 : i32
      %add3A_535 = arith.addi %mul3A_527, %add3A_534 : i32
      %get3A_536 = arith.index_cast %add3A_535 : i32 to index
      %get3A_537 = tpu.vector_load %arg8[%get3A_536] {strides = array<i32>} : memref<16384xi32, #tpu.memory_space<vmem>>, vector<16xi32>,
      %add3A_538 = arith.constant 48 : i32
      %add3A_539 = arith.addi %mul3A_527, %add3A_538 : i32
      %get3A_540 = arith.index_cast %add3A_539 : i32 to index
      %get3A_541 = tpu.vector_load %arg8[%get3A_540] {strides = array<i32>} : memref<16384xi32, #tpu.memory_space<vmem>>, vector<16xi32>,
      %add3A_542 = arith.addi %scan3A_522, %get3A_529 : vector<16xi32>
      %add3A_543 = arith.addi %scan3A_523, %get3A_533 : vector<16xi32>
      %add3A_544 = arith.addi %scan3A_524, %get3A_537 : vector<16xi32>
      %add3A_545 = arith.addi %scan3A_525, %get3A_541 : vector<16xi32>
      %le3A_546 = arith.constant 320 : i32
      %le3A_547 = vector.broadcast %le3A_546 : i32 to vector<16xi32>
      %le3A_548 = arith.cmpi sle, %add3A_542, %le3A_547 : vector<16xi32>
      %convert_element_type3A = arith.extui %le3A_548 : vector<16xi1> to vector<16xi32>
      %le3A_549 = arith.constant 320 : i32
      %le3A_550 = vector.broadcast %le3A_549 : i32 to vector<16xi32>
      %le3A_551 = arith.cmpi sle, %add3A_543, %le3A_550 : vector<16xi32>
      %convert_element_type3A_552 = arith.extui %le3A_551 : vector<16xi1> to vector<16xi32>
      %le3A_553 = arith.constant 320 : i32
      %le3A_554 = vector.broadcast %le3A_553 : i32 to vector<16xi32>
      %le3A_555 = arith.cmpi sle, %add3A_544, %le3A_554 : vector<16xi32>
      %convert_element_type3A_556 = arith.extui %le3A_555 : vector<16xi1> to vector<16xi32>
      %le3A_557 = arith.constant 320 : i32
      %le3A_558 = vector.broadcast %le3A_557 : i32 to vector<16xi32>
      %le3A_559 = arith.cmpi sle, %add3A_545, %le3A_558 : vector<16xi32>
      %convert_element_type3A_560 = arith.extui %le3A_559 : vector<16xi1> to vector<16xi32>
      %swap3A_561 = arith.index_cast %mul3A_527 : i32 to index
      %swap3A_562 = tpu.vector_load %arg9[%swap3A_561] {strides = array<i32>} : memref<16384xi32, #tpu.memory_space<vmem>>, vector<16xi32>,
      tpu.vector_store %arg9[%swap3A_561], %convert_element_type3A {strides = array<i32>} : memref<16384xi32, #tpu.memory_space<vmem>>, vector<16xi32>,
      %add3A_563 = arith.constant 16 : i32
      %add3A_564 = arith.addi %mul3A_527, %add3A_563 : i32
      %swap3A_565 = arith.index_cast %add3A_564 : i32 to index
      %swap3A_566 = tpu.vector_load %arg9[%swap3A_565] {strides = array<i32>} : memref<16384xi32, #tpu.memory_space<vmem>>, vector<16xi32>,
      tpu.vector_store %arg9[%swap3A_565], %convert_element_type3A_552 {strides = array<i32>} : memref<16384xi32, #tpu.memory_space<vmem>>, vector<16xi32>,
      %add3A_567 = arith.constant 32 : i32
      %add3A_568 = arith.addi %mul3A_527, %add3A_567 : i32
      %swap3A_569 = arith.index_cast %add3A_568 : i32 to index
      %swap3A_570 = tpu.vector_load %arg9[%swap3A_569] {strides = array<i32>} : memref<16384xi32, #tpu.memory_space<vmem>>, vector<16xi32>,
      tpu.vector_store %arg9[%swap3A_569], %convert_element_type3A_556 {strides = array<i32>} : memref<16384xi32, #tpu.memory_space<vmem>>, vector<16xi32>,
      %add3A_571 = arith.constant 48 : i32
      %add3A_572 = arith.addi %mul3A_527, %add3A_571 : i32
      %swap3A_573 = arith.index_cast %add3A_572 : i32 to index
      %swap3A_574 = tpu.vector_load %arg9[%swap3A_573] {strides = array<i32>} : memref<16384xi32, #tpu.memory_space<vmem>>, vector<16xi32>,
      tpu.vector_store %arg9[%swap3A_573], %convert_element_type3A_560 {strides = array<i32>} : memref<16384xi32, #tpu.memory_space<vmem>>, vector<16xi32>,
      %mul3A_575 = arith.muli %get3A_529, %convert_element_type3A : vector<16xi32>
      %swap3A_576 = arith.index_cast %mul3A_527 : i32 to index
      %swap3A_577 = tpu.vector_load %arg8[%swap3A_576] {strides = array<i32>} : memref<16384xi32, #tpu.memory_space<vmem>>, vector<16xi32>,
      tpu.vector_store %arg8[%swap3A_576], %mul3A_575 {strides = array<i32>} : memref<16384xi32, #tpu.memory_space<vmem>>, vector<16xi32>,
      %mul3A_578 = arith.muli %get3A_533, %convert_element_type3A_552 : vector<16xi32>
      %add3A_579 = arith.constant 16 : i32
      %add3A_580 = arith.addi %mul3A_527, %add3A_579 : i32
      %swap3A_581 = arith.index_cast %add3A_580 : i32 to index
      %swap3A_582 = tpu.vector_load %arg8[%swap3A_581] {strides = array<i32>} : memref<16384xi32, #tpu.memory_space<vmem>>, vector<16xi32>,
      tpu.vector_store %arg8[%swap3A_581], %mul3A_578 {strides = array<i32>} : memref<16384xi32, #tpu.memory_space<vmem>>, vector<16xi32>,
      %mul3A_583 = arith.muli %get3A_537, %convert_element_type3A_556 : vector<16xi32>
      %add3A_584 = arith.constant 32 : i32
      %add3A_585 = arith.addi %mul3A_527, %add3A_584 : i32
      %swap3A_586 = arith.index_cast %add3A_585 : i32 to index
      %swap3A_587 = tpu.vector_load %arg8[%swap3A_586] {strides = array<i32>} : memref<16384xi32, #tpu.memory_space<vmem>>, vector<16xi32>,
      tpu.vector_store %arg8[%swap3A_586], %mul3A_583 {strides = array<i32>} : memref<16384xi32, #tpu.memory_space<vmem>>, vector<16xi32>,
      %mul3A_588 = arith.muli %get3A_541, %convert_element_type3A_560 : vector<16xi32>
      %add3A_589 = arith.constant 48 : i32
      %add3A_590 = arith.addi %mul3A_527, %add3A_589 : i32
      %swap3A_591 = arith.index_cast %add3A_590 : i32 to index
      %swap3A_592 = tpu.vector_load %arg8[%swap3A_591] {strides = array<i32>} : memref<16384xi32, #tpu.memory_space<vmem>>, vector<16xi32>,
      tpu.vector_store %arg8[%swap3A_591], %mul3A_588 {strides = array<i32>} : memref<16384xi32, #tpu.memory_space<vmem>>, vector<16xi32>,
      scf.yield %add3A_542, %add3A_543, %add3A_544, %add3A_545 : vector<16xi32>, vector<16xi32>, vector<16xi32>, vector<16xi32>
    }
    %scan3A_512 = arith.constant 256 : i32
    "tpu.region"() ({
      %run_scoped3A = tpu.sem_alloc : memref<!tpu.dma_semaphore, #tpu.memory_space<semaphore_mem>>
      %dma_start3A = tpu.memref_slice %arg4[%mul3A_4] : memref<524288xi32, #tpu.memory_space<hbm>> -> memref<16384xi32, #tpu.memory_space<hbm>>
      %dma_start3A_521 = tpu.memref_slice %arg4[%mul3A_4] : memref<524288xi32, #tpu.memory_space<hbm>> -> memref<16384xi32, #tpu.memory_space<hbm>>
      tpu.enqueue_dma source(%arg8 : memref<16384xi32, #tpu.memory_space<vmem>>) target(%dma_start3A_521 : memref<16384xi32, #tpu.memory_space<hbm>>) target_semaphore(%run_scoped3A : memref<!tpu.dma_semaphore, #tpu.memory_space<semaphore_mem>>)
      %dma_wait3A = tpu.memref_slice %arg4[%mul3A_4] : memref<524288xi32, #tpu.memory_space<hbm>> -> memref<16384xi32, #tpu.memory_space<hbm>>
      %dma_wait3A_522 = tpu.memref_slice %arg4[%mul3A_4] : memref<524288xi32, #tpu.memory_space<hbm>> -> memref<16384xi32, #tpu.memory_space<hbm>>
      tpu.wait_dma2 semaphore(%run_scoped3A : memref<!tpu.dma_semaphore, #tpu.memory_space<semaphore_mem>>) src(%arg8 : memref<16384xi32, #tpu.memory_space<vmem>>) dst(%dma_wait3A_522 : memref<16384xi32, #tpu.memory_space<hbm>>)
      tpu.yield
    }) : () -> ()
    "tpu.region"() ({
      %run_scoped3A = tpu.sem_alloc : memref<!tpu.dma_semaphore, #tpu.memory_space<semaphore_mem>>
      %dma_start3A = tpu.memref_slice %arg5[%mul3A_4] : memref<524288xi32, #tpu.memory_space<hbm>> -> memref<16384xi32, #tpu.memory_space<hbm>>
      %dma_start3A_521 = tpu.memref_slice %arg5[%mul3A_4] : memref<524288xi32, #tpu.memory_space<hbm>> -> memref<16384xi32, #tpu.memory_space<hbm>>
      tpu.enqueue_dma source(%arg9 : memref<16384xi32, #tpu.memory_space<vmem>>) target(%dma_start3A_521 : memref<16384xi32, #tpu.memory_space<hbm>>) target_semaphore(%run_scoped3A : memref<!tpu.dma_semaphore, #tpu.memory_space<semaphore_mem>>)
      %dma_wait3A = tpu.memref_slice %arg5[%mul3A_4] : memref<524288xi32, #tpu.memory_space<hbm>> -> memref<16384xi32, #tpu.memory_space<hbm>>
      %dma_wait3A_522 = tpu.memref_slice %arg5[%mul3A_4] : memref<524288xi32, #tpu.memory_space<hbm>> -> memref<16384xi32, #tpu.memory_space<hbm>>
      tpu.wait_dma2 semaphore(%run_scoped3A : memref<!tpu.dma_semaphore, #tpu.memory_space<semaphore_mem>>) src(%arg9 : memref<16384xi32, #tpu.memory_space<vmem>>) dst(%dma_wait3A_522 : memref<16384xi32, #tpu.memory_space<hbm>>)
      tpu.yield
    }) : () -> ()
    %mul3A_513 = arith.constant 256 : i32
    %mul3A_514 = arith.muli %add3A, %mul3A_513 : i32
    %mul3A_515 = arith.constant 16 : i32
    %mul3A_516 = arith.muli %mul3A_514, %mul3A_515 : i32
    "tpu.region"() ({
      %run_scoped3A = tpu.sem_alloc : memref<!tpu.dma_semaphore, #tpu.memory_space<semaphore_mem>>
      %dma_start3A = tpu.memref_slice %arg3[%mul3A_516] : memref<131072xi32, #tpu.memory_space<hbm>> -> memref<4096xi32, #tpu.memory_space<hbm>>
      %dma_start3A_521 = tpu.memref_slice %arg3[%mul3A_516] : memref<131072xi32, #tpu.memory_space<hbm>> -> memref<4096xi32, #tpu.memory_space<hbm>>
      tpu.enqueue_dma source(%arg10 : memref<4096xi32, #tpu.memory_space<vmem>>) target(%dma_start3A_521 : memref<4096xi32, #tpu.memory_space<hbm>>) target_semaphore(%run_scoped3A : memref<!tpu.dma_semaphore, #tpu.memory_space<semaphore_mem>>)
      %dma_wait3A = tpu.memref_slice %arg3[%mul3A_516] : memref<131072xi32, #tpu.memory_space<hbm>> -> memref<4096xi32, #tpu.memory_space<hbm>>
      %dma_wait3A_522 = tpu.memref_slice %arg3[%mul3A_516] : memref<131072xi32, #tpu.memory_space<hbm>> -> memref<4096xi32, #tpu.memory_space<hbm>>
      tpu.wait_dma2 semaphore(%run_scoped3A : memref<!tpu.dma_semaphore, #tpu.memory_space<semaphore_mem>>) src(%arg10 : memref<4096xi32, #tpu.memory_space<vmem>>) dst(%dma_wait3A_522 : memref<4096xi32, #tpu.memory_space<hbm>>)
      tpu.yield
    }) : () -> ()
    %mul3A_517 = arith.constant 256 : i32
    %mul3A_518 = arith.muli %add3A, %mul3A_517 : i32
    %mul3A_519 = arith.constant 16 : i32
    %mul3A_520 = arith.muli %mul3A_518, %mul3A_519 : i32
    "tpu.region"() ({
      %run_scoped3A = tpu.sem_alloc : memref<!tpu.dma_semaphore, #tpu.memory_space<semaphore_mem>>
      %dma_start3A = tpu.memref_slice %arg6[%mul3A_520] : memref<131072xf32, #tpu.memory_space<hbm>> -> memref<4096xf32, #tpu.memory_space<hbm>>
      %dma_start3A_521 = tpu.memref_slice %arg6[%mul3A_520] : memref<131072xf32, #tpu.memory_space<hbm>> -> memref<4096xf32, #tpu.memory_space<hbm>>
      tpu.enqueue_dma source(%arg11 : memref<4096xf32, #tpu.memory_space<vmem>>) target(%dma_start3A_521 : memref<4096xf32, #tpu.memory_space<hbm>>) target_semaphore(%run_scoped3A : memref<!tpu.dma_semaphore, #tpu.memory_space<semaphore_mem>>)
      %dma_wait3A = tpu.memref_slice %arg6[%mul3A_520] : memref<131072xf32, #tpu.memory_space<hbm>> -> memref<4096xf32, #tpu.memory_space<hbm>>
      %dma_wait3A_522 = tpu.memref_slice %arg6[%mul3A_520] : memref<131072xf32, #tpu.memory_space<hbm>> -> memref<4096xf32, #tpu.memory_space<hbm>>
      tpu.wait_dma2 semaphore(%run_scoped3A : memref<!tpu.dma_semaphore, #tpu.memory_space<semaphore_mem>>) src(%arg11 : memref<4096xf32, #tpu.memory_space<vmem>>) dst(%dma_wait3A_522 : memref<4096xf32, #tpu.memory_space<hbm>>)
      tpu.yield
    }) : () -> ()
    return
  }
}

module attributes {stable_mosaic.version = 14 : i64} {
  func.func @_matmul_body(%arg0: i32, %arg1: i32, %arg2: memref<1x1024x4096xf32, #tpu.memory_space<vmem>>, %arg3: memref<4096x64xf32, #tpu.memory_space<vmem>>, %arg4: memref<1x1024x64xf32, #tpu.memory_space<vmem>>) attributes {dimension_semantics = [#tpu.dimension_semantics<arbitrary>, #tpu.dimension_semantics<arbitrary>], iteration_bounds = array<i64: 4, 2>, scalar_prefetch = 0 : i64, scratch_operands = 0 : i64, tpu.core_type = #tpu.core_type<tc>, window_params = [{transform_indices = @transform_0, window_bounds = array<i64: 1, 1024, 4096>}, {pipeline_mode = #tpu.pipeline_mode<synchronous>, transform_indices = @transform_1, window_bounds = array<i64: 4096, 64>}, {transform_indices = @transform_2, window_bounds = array<i64: 1, 1024, 64>}]} {
    %get3A = arith.constant 0 : index
    %get3A_0 = arith.constant 0 : index
    %get3A_1 = arith.constant 0 : index
    %get3A_2 = vector.load %arg2[%get3A, %get3A_0, %get3A_1] : memref<1x1024x4096xf32, #tpu.memory_space<vmem>>, vector<1x1024x4096xf32>
    %get3A_3 = vector.shape_cast %get3A_2 : vector<1x1024x4096xf32> to vector<1024x4096xf32>
    %get3A_4 = arith.constant 0 : index
    %get3A_5 = arith.constant 0 : index
    %get3A_6 = vector.load %arg3[%get3A_4, %get3A_5] : memref<4096x64xf32, #tpu.memory_space<vmem>>, vector<4096x64xf32>
    %dot_general3A = arith.constant dense<0.000000e+00> : vector<1024x64xf32>
    %dot_general3A_7 = tpu.matmul %get3A_3, %get3A_6, %dot_general3A {dimension_numbers = #tpu.dot_dimension_numbers<[1], [0], [0], [1], [0, 0, 1, 1], [], []>, transpose_lhs_hint = false} : vector<1024x4096xf32>, vector<4096x64xf32>, vector<1024x64xf32> -> vector<1024x64xf32>
    %swap3A = arith.constant 0 : index
    %swap3A_8 = arith.constant 0 : index
    %swap3A_9 = arith.constant 0 : index
    %swap3A_10 = vector.load %arg4[%swap3A, %swap3A_8, %swap3A_9] : memref<1x1024x64xf32, #tpu.memory_space<vmem>>, vector<1x1024x64xf32>
    %swap3A_11 = vector.shape_cast %swap3A_10 : vector<1x1024x64xf32> to vector<1024x64xf32>
    %swap3A_12 = vector.shape_cast %dot_general3A_7 : vector<1024x64xf32> to vector<1x1024x64xf32>
    tpu.vector_store %arg4[%swap3A, %swap3A_8, %swap3A_9], %swap3A_12 {strides = array<i32>} : memref<1x1024x64xf32, #tpu.memory_space<vmem>>, vector<1x1024x64xf32>,
    return
  }
  func.func @transform_0(%arg0: i32, %arg1: i32) -> (i32, i32, i32) {
    %c0_i32 = arith.constant 0 : i32
    %c0_i32_0 = arith.constant 0 : i32
    return %arg0, %arg1, %c0_i32 : i32, i32, i32
  }
  func.func @transform_1(%arg0: i32, %arg1: i32) -> (i32, i32) {
    %c0_i32 = arith.constant 0 : i32
    %c0_i32_0 = arith.constant 0 : i32
    %c0_i32_1 = arith.constant 0 : i32
    return %c0_i32, %c0_i32_0 : i32, i32
  }
  func.func @transform_2(%arg0: i32, %arg1: i32) -> (i32, i32, i32) {
    %c0_i32 = arith.constant 0 : i32
    %c0_i32_0 = arith.constant 0 : i32
    return %arg0, %arg1, %c0_i32 : i32, i32, i32
  }
}

</mosaic_0001>

<sc_bundles>
// kernel: kernel.4.cloned.1.call-start
scs
__scs_entry_jumppad:
0x0: {  	(pc) =	sbr.rel $0x88, $3  }
0x1: {  	(tag) =	ssettag $0x0;
	lr =	simm.s32 $0x1  }
0x2: {  	[smem:$0x3F9F] =	sst lr;
	_ =	strace $0xD0000000  }
0x3: {  	_ = 	snop  }
0x4: {  	_ = 	snop  }
0x5: {  	_ = 	snop  }
0x6: {  	_ = 	snop  }
0x7: {  	_ = 	snop  }
__scs_overlays_trampoline_lowered:
0x8: {  	[smem:$0x3FAE] =	sst s0  }
0x9: {  	[smem:$0x3FAF] =	sst s1  }
0xa: {  	[smem:$0x3FB0] =	sst s2  }
0xb: {  	[smem:$0x3FB1] =	sst s3  }
0xc: {  	[smem:$0x3FB2] =	sst s4  }
0xd: {  	[smem:$0x3FB3] =	sst s5  }
0xe: {  	[smem:$0x3FB4] =	sst s6  }
0xf: {  	[smem:$0x3FB5] =	sst s7  }
0x10: {  	[smem:$0x3FB6] =	sst s8  }
0x11: {  	[smem:$0x3FB7] =	sst s9;
	s0 =	simm.s32 @!p0 $0x0  }
0x12: {  	s1 =	sld [smem:$0x3F9D];
	s0 =	simm.s32 @p0 $0x1  }
0x13: {  	[smem:$0x3FB8] =	sst s0;
	s0 =	simm.s32 @!p1 $0x0  }
0x14: {  	s2 =	sld [smem:$0x3F9C];
	s0 =	simm.s32 @p1 $0x1  }
0x15: {  	[smem:$0x3FB9] =	sst s0;
	s0 =	simm.s32 @!p2 $0x0  }
0x16: {  	s3 =	sld [smem:$0x3FDB];
	s0 =	simm.s32 @p2 $0x1  }
0x17: {  	s4 =	simm.s32 $0x1BF5;
	[smem:$0x3FBB] =	sst s0  }
0x18: {  	s0 =	sld [smem:$0x3F9E];
	_ =	swait.ge [sflag:s4], $0x0  }
0x19: {  	s7 =	sld [smem:$0x3F9F]  }
0x1a: {  	s8 =	sadd.s32 $0xFFFFE003, lr  }
0x1b: {  	s9 =	sadd.s32 $0xFFFFFEF7, lr;
	s5 =	simm.s32 $0xFFFFFFFF;
	p2 =	slt.u32 s8, $0xFFFFF086  }
0x1c: {  	p1 =	slt.u32 s9, $0xF7A;
	s5 =	simm.s32 @!p2 $0x0  }
0x1d: {  	s5 =	simm.s32 @p1 $0x1;
	p0 =	seq.s32 s7, s2  }
0x1e: {  	s7 =	smul.u32 @!p0 $0xF7A, s2;
	p2 =	seq.s32 @!p0 s5, $0x0  }
0x1f: {  	s9 =	smul.u32 $0xF7A, s1;
	s8 =	simm.s32 @!p0 $0x1BF5;
	p2 =	por !p2, p0  }
0x20: {  	[sflag:s8] =	ssyncset.s32 @!p0 $0xFFFFF086;
	s6 =	sadd.s32 @!p0 s3, s7;
	s7 =	simm.s32 @!p0 $0x108  }
0x21: {  	s3 =	sadd.s32 s3, s9;
	s6 =	sadd.s32 @!p0 $0x88, s6;
	s7 =	simm.s32 @p2 $0x1082  }
0x22: {  	[simem:s7], [sflag:s8] =	dma.local @!p0 [hbm:s6], $0xF7A  }
0x23: {  	s9 =	sor.u32 $0xD0000000, s2;
	s6 =	simm.s32 $0x108;
	_ =	swait.ge @!p0 [sflag:s8], $0x0  }
0x24: {  	s3 =	sadd.s32 $0x88, s3;
	s6 =	simm.s32 @!p1 $0x1082;
	[sflag:s4] =	ssyncset.s32 $0xFFFFF086  }
0x25: {  	[simem:s6], [sflag:s4] =	dma.local [hbm:s3], $0xF7A  }
0x26: {  	[smem:$0x3F9F] =	sst s1;
	(tag) =	ssettag s2;
	_ =	strace s9  }
0x27: {  	s1 =	sld [smem:$0x3FAF]  }
0x28: {  	s2 =	sld [smem:$0x3FB0]  }
0x29: {  	s4 =	sld [smem:$0x3FB2]  }
0x2a: {  	p0 =	seq.s32 s5, $0x0;
	s5 =	sld [smem:$0x3FB3]  }
0x2b: {  	s6 =	sld [smem:$0x3FB4]  }
0x2c: {  	s7 =	sld [smem:$0x3FB5]  }
0x2d: {  	s3 =	simm.s32 $0x108;
	s8 =	sld [smem:$0x3FB6]  }
0x2e: {  	s3 =	simm.s32 @!p0 $0x1082;
	s9 =	sld [smem:$0x3FB7]  }
0x2f: {  	lr =	sadd.s32 s0, s3;
	s0 =	sld [smem:$0x3FAE]  }
0x30: {  	s3 =	sld [smem:$0x3FB1]  }
0x31: {  	[smem:$0x3FBA] =	sst s10  }
0x32: {  	s10 =	sld [smem:$0x3FB8];
	_ =	sdelay $0x3  }
0x33: {  	p0 =	seq.s32 s10, $0x1;
	s10 =	sld [smem:$0x3FBA];
	_ =	sdelay $0x3  }
0x34: {  	[smem:$0x3FBA] =	sst s10  }
0x35: {  	s10 =	sld [smem:$0x3FB9];
	_ =	sdelay $0x3  }
0x36: {  	p1 =	seq.s32 s10, $0x1;
	s10 =	sld [smem:$0x3FBA];
	_ =	sdelay $0x3  }
0x37: {  	[smem:$0x3FBA] =	sst s10  }
0x38: {  	s10 =	sld [smem:$0x3FBB]  }
0x39: {  	_ = 	snop;
	(pc) =	sbr.ind lr, $3  }
0x3a: {  	_ = 	snop  }
0x3b: {  	_ = 	snop  }
0x3c: {  	p2 =	seq.s32 s10, $0x1;
	s10 =	sld [smem:$0x3FBA]  }
0x3d: {  	_ =	shalt  }
0x3e: {  	_ =	shalt  }
0x3f: {  	_ =	shalt  }
0x40: {  	_ =	shalt  }
0x41: {  	_ =	shalt  }
0x42: {  	_ =	shalt  }
0x43: {  	_ =	shalt  }
0x44: {  	_ =	shalt  }
0x45: {  	_ =	shalt  }
0x46: {  	_ =	shalt  }
0x47: {  	_ =	shalt  }
0x48: {  	_ =	shalt  }
0x49: {  	_ =	shalt  }
0x4a: {  	_ =	shalt  }
0x4b: {  	_ =	shalt  }
0x4c: {  	_ =	shalt  }
0x4d: {  	_ =	shalt  }
0x4e: {  	_ =	shalt  }
0x4f: {  	_ =	shalt  }
0x50: {  	_ =	shalt  }
0x51: {  	_ =	shalt  }
0x52: {  	_ =	shalt  }
0x53: {  	_ =	shalt  }
0x54: {  	_ =	shalt  }
0x55: {  	_ =	shalt  }
0x56: {  	_ =	shalt  }
0x57: {  	_ =	shalt  }
0x58: {  	_ =	shalt  }
0x59: {  	_ =	shalt  }
0x5a: {  	_ =	shalt  }
0x5b: {  	_ =	shalt  }
0x5c: {  	_ =	shalt  }
0x5d: {  	_ =	shalt  }
0x5e: {  	_ =	shalt  }
0x5f: {  	_ =	shalt  }
0x60: {  	_ =	shalt  }
0x61: {  	_ =	shalt  }
0x62: {  	_ =	shalt  }
0x63: {  	_ =	shalt  }
0x64: {  	_ =	shalt  }
0x65: {  	_ =	shalt  }
0x66: {  	_ =	shalt  }
0x67: {  	_ =	shalt  }
0x68: {  	_ =	shalt  }
0x69: {  	_ =	shalt  }
0x6a: {  	_ =	shalt  }
0x6b: {  	_ =	shalt  }
0x6c: {  	_ =	shalt  }
0x6d: {  	_ =	shalt  }
0x6e: {  	_ =	shalt  }
0x6f: {  	_ =	shalt  }
0x70: {  	_ =	shalt  }
0x71: {  	_ =	shalt  }
0x72: {  	_ =	shalt  }
0x73: {  	_ =	shalt  }
0x74: {  	_ =	shalt  }
0x75: {  	_ =	shalt  }
0x76: {  	_ =	shalt  }
0x77: {  	_ =	shalt  }
0x78: {  	_ =	shalt  }
0x79: {  	_ =	shalt  }
0x7a: {  	_ =	shalt  }
0x7b: {  	_ =	shalt  }
0x7c: {  	_ =	shalt  }
0x7d: {  	_ =	shalt  }
0x7e: {  	_ =	shalt  }
0x7f: {  	_ =	shalt  }
0x80: {  	_ =	shalt  }
0x81: {  	_ =	shalt  }
0x82: {  	_ =	shalt  }
0x83: {  	_ =	shalt  }
0x84: {  	_ =	shalt  }
0x85: {  	_ =	shalt  }
0x86: {  	_ =	shalt  }
0x87: {  	_ =	shalt  }
.Lfunc_end0:
.L_simem_size_0:
called_computation_lowered:
.L_overlay_start_0:
0x88: {  	s2 =	sld [smem:$0x3FD9]  }
0x89: {  	s3 =	sld [smem:$0x3FFE];
	_ =	sdelay $0x1  }
0x8a: {  	s1 =	srdreg.scid  }
0x8b: {  	s0 =	sand.u32 $0x1, s1  }
0x8c: {  	s14 =	sshll.u32 s0, $0xA;
	s2 =	sadd.s32 s3, s2  }
0x8d: {  	s2 =	sadd.s32 s2, s14  }
0x8e: {  	[smem:$0x3FC6] =	sst s2  }
0x8f: {  	_ = 	snop  }
0x90: {  	s2 =	sld [smem:$0x3FD0];
	_ =	sdelay $0x2  }
0x91: {  	s15 =	simm.s32 $0xA;
	s4 =	simm.s32 $0x10  }
0x92: {  	[smem:s4], [sflag:s15] =	dma.local [hbm:s2], $0x1  }
0x93: {  	_ =	swait.eq [sflag:s15], $0x1  }
0x94: {  	[sflag:s15] =	ssyncset.done $0x0  }
0x95: {  	[sflag:s15] =	ssyncadd.s32 $0xFFFFFFFF  }
0x96: {  	s16 =	sld [smem:$0x11];
	(tm) =	ssettm $0x1  }
0x97: {  	s17 =	sld [smem:$0x3FFB];
	_ =	sdelay $0x3  }
0x98: {  	_ =	strace s17  }
0x99: {  	s3 =	sld [smem:$0x3FFC];
	_ =	sdelay $0x3  }
0x9a: {  	_ =	strace s3  }
0x9b: {  	s3 =	sld [smem:$0x3FFD];
	_ =	sdelay $0x3  }
0x9c: {  	_ =	strace s3  }
0x9d: {  	_ =	strace $0x8FFFFFFF  }
0x9e: {  	s18 =	sld [smem:$0x3FDB];
	_ =	sdelay $0x1  }
0x9f: {  	s19 =	simm.s32 $_scs_section_size  }
0xa0: {  	s5 =	simm.s32 $_size__tile_overlayer_lowered;
	s6 =	simm.s32 $_tile_overlayer_lowered  }
0xa1: {  	s22 =	simm.s32 $0x1BFF;
	s21 =	sshll.u32 s6, $0x1;
	s3 =	sadd.s32 s19, s18  }
0xa2: {  	s7 =	simm.s32 $0x0;
	s20 =	sshll.u32 s5, $0x1;
	s5 =	sadd.s32 s21, s3  }
0xa3: {  	[timem:s7], [sflag:s22] =	dma.local [hbm:s5], s20  }
0xa4: {  	_ =	swait.ge [sflag:s22], s20  }
0xa5: {  	s4 =	ssub.s32 $0x0, s20;
	[sflag:s22] =	ssyncset.done $0x0  }
0xa6: {  	[sflag:s22] =	ssyncadd.s32 s4;
	_ =	sdelay $0x1  }
0xa7: {  	s23 =	simm.s32 $0x1B8B  }
0xa8: {  	_ =	swait.ge [sflag:s23], $0x1  }
0xa9: {  	[sflag:s23] =	ssyncset.done $0x0  }
0xaa: {  	s25 =	simm.s32 $0x1B8E;
	s24 =	sld [smem:$0x3FFE];
	[sflag:s23] =	ssyncadd.s32 $0xFFFFFFFF  }
0xab: {  	s26 =	simm.s32 $execute0_lowered;
	[smem:$0x3FD2] =	sst s25  }
0xac: {  	s5 =	sshll.u32 s26, $0x1;
	_ =	strace $0x80000046;
	[dreg:$0x1] =	wrdreg $0xFFFFFFFF  }
0xad: {  	s28 =	simm.s32 $_size_execute0_lowered;
	s3 =	sadd.s32 s3, s5;
	[dreg:$0x0] =	wrdreg $0x0  }
0xae: {  	s5 =	sshll.u32 s28, $0x1;
	[dreg:$0x2] =	wrdreg s3  }
0xaf: {  	[dreg:$0x3] =	wrdreg s5  }
0xb0: {  	[dreg:$0x4] =	wrdreg $0xC0  }
0xb1: {  	_ =	task [dreg:s7], $0x5FFFF  }
0xb2: {  	[dreg:$0x1] =	wrdreg $0xFFFFFFFF  }
0xb3: {  	[dreg:$0x0] =	wrdreg $0x60  }
0xb4: {  	[dreg:$0x2] =	wrdreg s16  }
0xb5: {  	[dreg:$0x3] =	wrdreg s24  }
0xb6: {  	[dreg:$0x4] =	wrdreg $0xE4800  }
0xb7: {  	[dreg:$0x5] =	wrdreg $0x9  }
0xb8: {  	_ =	task.clear_ibuf [dreg:s7], $0x6FFFF;
	_ =	strace $0x90000046  }
0xb9: {  	s29 =	simm.s32 $0x9;
	_ =	strace $0x80000048  }
0xba: {  	_ =	swait.ge [sflag:s29], $0x1  }
0xbb: {  	[sflag:s29] =	ssyncadd.s32 $0xFFFFFFFF  }
0xbc: {  	_ =	strace $0x90000048  }
0xbd: {  	_ =	sfence  }
0xbe: {  	s30 =	sld [smem:$0x0];
	_ =	sdelay $0x2  }
0xbf: {  	s31 =	sshll.u32 s1, $0xD;
	s1 =	sshrl.u32 s1, $0x2  }
0xc0: {  	s3 =	sand.u32 $0x4000, s31;
	s1 =	sadd.s32 s1, s30  }
0xc1: {  	s0 =	sor.u32 s3, s0;
	s1 =	sshll.u32 s1, $0x11  }
0xc2: {  	s0 =	sor.u32 s1, s0  }
0xc3: {  	s0 =	sadd.s32 $0x8F2B, s0  }
0xc4: {  	[sflag:s0] =	ssyncadd.remote.s32 $0x1  }
0xc5: {  	_ =	sfence.sel $0xFFFF  }
0xc6: {  	[dreg:$0x0] =	wrdreg $0xFFFFFFFF;
	(pc) =	sbr.abs _section_cstart, $3  }
0xc7: {  	[dreg:$0x1] =	wrdreg $0xFFFFFFFF  }
0xc8: {  	_ =	task.clear_ibuf [dreg:s7], $0x2FFFF;
	_ =	strace $0x9FFFFFFF  }
0xc9: {  	(tm) =	ssettm $0x7FFFFFFF  }
tec
execute0_lowered:
.L_overlay_start_1:
0x0: {  	(tag) =	ssettag $0x1  }
0x1: {  	s0 =	rddreg [dreg:$0x0]  }
0x2: {  	s1 =	rddreg [dreg:$0x1];
	s2 =	srdreg.scid  }
0x3: {  	s8 =	rddreg [dreg:$0x2];
	s2 =	sand.u32 $0x1, s2  }
0x4: {  	s3 =	simm.s32 $0x0;
	s19 =	stileid.u32;
	s4 =	sshll.u32 s2, $0x4  }
0x5: {  	[smem:$0x7FF] =	sst s3;
	s4 =	sor.u32 s19, s4  }
0x6: {  	s6 =	sshll.u32 s19, $0x6;
	s16 =	sand.u32 $0xE, s19;
	s5 =	sshll.u32 s4, $0xB  }
0x7: {  	p0 =	seq.s32 s19, $0xF;
	s4 =	sshll.u32 s4, $0x9;
	s7 =	sadd.s32 s5, s1  }
0x8: {  	s1 =	sadd.s32 s4, s1;
	s4 =	sadd.s32 s0, s5;
	s5 =	sadd.s32 s6, s8  }
0x9: {  	s8 =	sadd.s32 $0x10E00, s1;
	s9 =	sadd.s32 $0x24E00, s1;
	s1 =	simm.s32 @!p0 $0x0  }
0xa: {  	s15 =	sadd.s32 $0xFFFFFFFB, s19;
	s1 =	simm.s32 @p0 $0x1;
	p0 =	seq.s32 s16, $0x6  }
0xb: {  	_ =	strace $0x80000047;
	[smem:$0x7F5] =	sst s1;
	s1 =	simm.s32 @!p0 $0x0  }
0xc: {  	s11 =	simm.s32 $0x1;
	s1 =	simm.s32 @p0 $0x1;
	p0 =	slt.u32 s15, $0x3  }
0xd: {  	s14 =	sand.u32 $0xC, s19;
	[smem:$0x7F6] =	sst s1;
	s1 =	simm.s32 @!p0 $0x0  }
0xe: {  	s17 =	simm.s32 $0xD000;
	s1 =	simm.s32 @p0 $0x1;
	p0 =	seq.s32 s14, $0x4  }
0xf: {  	s13 =	sadd.s32 $0xFFFFFFFD, s19;
	[smem:$0x7F7] =	sst s1;
	s1 =	simm.s32 @!p0 $0x0  }
0x10: {  	s18 =	simm.s32 $0x0;
	s1 =	simm.s32 @p0 $0x1;
	p0 =	slt.u32 s13, $0x5  }
0x11: {  	s12 =	sadd.s32 $0xFFFFFFFE, s19;
	[smem:$0x7F8] =	sst s1;
	s1 =	simm.s32 @!p0 $0x0  }
0x12: {  	s31 =	sadd.s32 $0xFFFFFFFF, s19;
	s1 =	simm.s32 @p0 $0x1;
	p0 =	slt.u32 s12, $0x6  }
0x13: {  	p2 =	sgt.u32 s19, $0xB;
	[smem:$0x7F9] =	sst s1;
	s1 =	simm.s32 @!p0 $0x0  }
0x14: {  	p3 =	sgt.u32 s19, $0xA;
	s1 =	simm.s32 @p0 $0x1;
	p0 =	slt.u32 s31, $0x7  }
0x15: {  	p4 =	sgt.u32 s19, $0x9;
	p5 =	sgt.u32 s19, $0x8;
	s0 =	simm.s32 @!p0 $0x0  }
0x16: {  	p6 =	seq.s32 s19, $0x7;
	s0 =	simm.s32 @p0 $0x1;
	p0 =	sgt.u32 s19, $0xD  }
0x17: {  	v0 =	vlaneseq.u32;
	s2 =	ssub.s32 $0x2, s2;
	[smem:$0x7FB] =	sst s0;
	s0 =	simm.s32 @!p0 $0x0  }
0x18: {  	vm4 =	vmmov $0x1;
	v1 =	vor.u32 $0x80000030, v0;
	s30 =	sshrl.u32 s2, $0x1;
	s0 =	simm.s32 @p0 $0x1;
	p0 =	sgt.u32 s19, $0xC  }
0x19: {  	v9 =	vimm.s32 $0x0;
	v2 =	vor.u32 $0x80000020, v0;
	v3 =	vor.u32 $0x80000010, v0;
	s2 =	ssub.s32 s2, s30;
	[smem:$0x7FC] =	sst s0;
	s0 =	simm.s32 @!p0 $0x0  }
0x1a: {  	v4 =	vor.u32 $0x80000000, v0;
	v5 =	vor.u32 $0x10, v0;
	v9 =	vsel vm4, $0xFFFFFFFF, v9;
	s10 =	smax.u32 s2, $0x1;
	[smem:$0x7FA] =	sst s1;
	s0 =	simm.s32 @p0 $0x1  }
0x1b: {  	v8 =	vimm.s32 $0x0;
	v6 =	vor.u32 $0x20, v0;
	v7 =	vor.u32 $0x30, v0;
	[tilespmem:$0x1FFF0] =	vst v9;
	s6 =	sadd.s32 $0x14E00, s7;
	s7 =	sadd.s32 $0xE00, s7;
	[smem:$0x7FD] =	sst s0  }
.LBB2_1:
0x1c: {  	[tilespmem:s3], [sflag:$0x1] =	stream.linear.gather [hbm4b:s4+s3], $0x4000, $0x38;
	[tilespmem:$0xE4C0] =	vst v63  }
0x1d: {  	_ =	swait.ge [sflag:s11], $0x4000  }
0x1e: {  	v9 =	vimm.s32 $0x0;
	s19 =	simm.s32 $0x4020;
	[sflag:s11] =	ssyncset.done $0x0  }
0x1f: {  	s20 =	simm.s32 $0x20;
	s21 =	simm.s32 $0x0;
	v10 =	vimm.s32 $0x0;
	v11 =	vimm.s32 $0x0;
	v12 =	vimm.s32 $0x0;
	[sflag:s11] =	ssyncadd.s32 $0xFFFFC000  }
.LBB2_2:
0x20: {  	v14 =	vld [tilespmem:s20+$0xFFFFFFE0]  }
0x21: {  	v15 =	vld [tilespmem:s20+$0xFFFFFFF0]  }
0x22: {  	v16 =	vld [tilespmem:s20+$0x0]  }
0x23: {  	v17 =	vld [tilespmem:s20+$0x10];
	_ =	sdelay $0x4  }
0x24: {  	v13 =	vmax.f32 v14, v15;
	v18 =	vmax.f32 v16, v17  }
0x25: {  	v13 =	vmax.f32 v13, v18  }
0x26: {  	(xrf0) =	vmax.scan.msk.f32 $0xffff, v13;
	_ =	sdelay $0x5  }
0x27: {  	v13, _, _ =	vpop (xrf0)  }
0x28: {  	v61 =	vbroadcast v13, $0xF;
	_ =	sdelay $0x1  }
0x29: {  	v19 =	vsub.f32 v14, v61  }
0x2a: {  	v20 =	vsub.f32 v15, v61  }
0x2b: {  	v21 =	vsub.f32 v16, v61;
	v19 =	vmul.f32 $1.442695020e+00, v19  }
0x2c: {  	v22 =	vsub.f32 v17, v61;
	v20 =	vmul.f32 $1.442695020e+00, v20  }
0x2d: {  	v62 =	vmul.f32 $1.442695020e+00, v21;
	(erf) = vpow2.f32 v19  }
0x2e: {  	v63 =	vmul.f32 $1.442695020e+00, v22;
	(erf) = vpow2.f32 v20  }
0x2f: {  	(erf) = vpow2.f32 v62  }
0x30: {  	(erf) = vpow2.f32 v63;
	_ =	sdelay $0x5  }
0x31: {  	v24 =	vpop (erf)  }
0x32: {  	(xrf2) =	vadd.scan.msk.f32 $0xffff, v24;
	v25 =	vpop (erf)  }
0x33: {  	(xrf2) =	vadd.scan.msk.f32 $0xffff, v25;
	v26 =	vpop (erf)  }
0x34: {  	(xrf2) =	vadd.scan.msk.f32 $0xffff, v26;
	v27 =	vpop (erf)  }
0x35: {  	vm0 =	veq.f32 v17, v61;
	(xrf2) =	vadd.scan.msk.f32 $0xffff, v27  }
0x36: {  	vm1 =	veq.f32 v16, v61;
	v28 =	vnsel vm0, $0x80000040, v1  }
0x37: {  	vm5 =	veq.f32 v15, v61;
	v19 =	vsel vm1, v2, v28  }
0x38: {  	vm6 =	veq.f32 v14, v61;
	v29 =	vsel vm5, v3, v19  }
0x39: {  	v18 =	vsel vm6, v4, v29  }
0x3a: {  	(xrf0) =	vmin.scan.msk.u32 $0xffff, v18;
	_ =	sdelay $0x1  }
0x3b: {  	(v2sf) =	vpush v13, $0xF;
	v30, _, _ =	vpop (xrf2)  }
0x3c: {  	v13, _, _ =	vpop (xrf2);
	(v2sf) =	vpush v30, $0xF  }
0x3d: {  	v31, _, _ =	vpop (xrf2);
	(v2sf) =	vpush v13, $0xF  }
0x3e: {  	(v2sf) =	vpush v31, $0xF;
	v13, _, _ =	vpop (xrf2)  }
0x3f: {  	(v2sf) =	vpush v13, $0xF;
	v13, _, _ =	vpop (xrf0)  }
0x40: {  	(v2sf) =	vpush v13, $0xF;
	_ =	sdelay $0x9  }
0x41: {  	s22 =	spop (v2sf)  }
0x42: {  	s26 =	spop (v2sf)  }
0x43: {  	s28 =	spop (v2sf)  }
0x44: {  	s24 =	spop (v2sf)  }
0x45: {  	s23 =	spop (v2sf)  }
0x46: {  	s0 =	spop (v2sf)  }
0x47: {  	v32 =	vimm.s32 $0x0;
	s0 =	sxor.u32 $0x80000000, s0  }
0x48: {  	v33 =	vimm.s32 $0x0;
	v34 =	vimm.s32 $0x0;
	v13 =	vmov s0  }
0x49: {  	v35 =	vimm.s32 $0x0;
	vm7 =	veq.s32 v13, v0;
	vm2 =	veq.s32 v13, v5  }
0x4a: {  	vm3 =	veq.s32 v13, v6;
	vm8 =	veq.s32 v13, v7;
	v18 =	vsel vm7, $0xFFFFFFFF, v32  }
0x4b: {  	v14 =	vsel vm7, $0xFF61B1E6, v14;
	v15 =	vsel vm2, $0xFF61B1E6, v15;
	[tilespmem:$0x1FF20] =	vst v18;
	v18 =	vsel vm2, $0xFFFFFFFF, v33  }
0x4c: {  	v16 =	vsel vm3, $0xFF61B1E6, v16;
	v17 =	vsel vm8, $0xFF61B1E6, v17;
	[tilespmem:$0x1FF30] =	vst v18;
	v18 =	vsel vm3, $0xFFFFFFFF, v34  }
0x4d: {  	v36 =	vmax.f32 v14, v15;
	v37 =	vmax.f32 v16, v17;
	[tilespmem:$0x1FF40] =	vst v18;
	v18 =	vsel vm8, $0xFFFFFFFF, v35  }
0x4e: {  	[tilespmem:$0x1FF50] =	vst v18;
	v18 =	vmax.f32 v36, v37  }
0x4f: {  	(xrf0) =	vmax.scan.msk.f32 $0xffff, v18;
	_ =	sdelay $0x5  }
0x50: {  	v18, _, _ =	vpop (xrf0)  }
0x51: {  	v38 =	vbroadcast v18, $0xF;
	_ =	sdelay $0x1  }
0x52: {  	vm0 =	veq.f32 v17, v38  }
0x53: {  	vm9 =	veq.f32 v16, v38;
	v39 =	vnsel vm0, $0x80000040, v1  }
0x54: {  	vm10 =	veq.f32 v15, v38;
	v20 =	vsel vm9, v2, v39  }
0x55: {  	vm11 =	veq.f32 v14, v38;
	v40 =	vsel vm10, v3, v20  }
0x56: {  	v19 =	vsel vm11, v4, v40  }
0x57: {  	(xrf0) =	vmin.scan.msk.u32 $0xffff, v19;
	_ =	sdelay $0x5  }
0x58: {  	(v2sf) =	vpush v18, $0xF;
	v41, _, _ =	vpop (xrf0)  }
0x59: {  	(v2sf) =	vpush v41, $0xF;
	_ =	sdelay $0xd  }
0x5a: {  	s30 =	spop (v2sf)  }
0x5b: {  	s12 =	spop (v2sf)  }
0x5c: {  	s25 =	sxor.u32 $0x80000000, s12  }
0x5d: {  	v42 =	vmov s25  }
0x5e: {  	v46 =	vimm.s32 $0x0;
	vm12 =	veq.s32 v42, v0;
	vm13 =	veq.s32 v42, v5  }
0x5f: {  	vm14 =	veq.s32 v42, v6;
	vm15 =	veq.s32 v42, v7;
	v14 =	vsel vm12, $0xFF61B1E6, v14  }
0x60: {  	v15 =	vsel vm13, $0xFF61B1E6, v15;
	v16 =	vsel vm14, $0xFF61B1E6, v16;
	v17 =	vsel vm15, $0xFF61B1E6, v17  }
0x61: {  	v18 =	vsel vm15, $0xFFFFFFFF, v46;
	v47 =	vmax.f32 v14, v15;
	v48 =	vmax.f32 v16, v17  }
0x62: {  	[tilespmem:$0x1FF90] =	vst v18;
	v18 =	vmax.f32 v47, v48  }
0x63: {  	(xrf0) =	vmax.scan.msk.f32 $0xffff, v18;
	_ =	sdelay $0x5  }
0x64: {  	v18, _, _ =	vpop (xrf0)  }
0x65: {  	v49 =	vbroadcast v18, $0xF  }
0x66: {  	v43 =	vimm.s32 $0x0  }
0x67: {  	v44 =	vimm.s32 $0x0;
	v45 =	vimm.s32 $0x0;
	vm4 =	veq.f32 v17, v49  }
0x68: {  	v19 =	vsel vm12, $0xFFFFFFFF, v43;
	vm5 =	veq.f32 v16, v49;
	v50 =	vnsel vm4, $0x80000040, v1  }
0x69: {  	[tilespmem:$0x1FF60] =	vst v19;
	v19 =	vsel vm13, $0xFFFFFFFF, v44;
	vm6 =	veq.f32 v15, v49;
	v20 =	vsel vm5, v2, v50  }
0x6a: {  	[tilespmem:$0x1FF70] =	vst v19;
	v19 =	vsel vm14, $0xFFFFFFFF, v45;
	vm7 =	veq.f32 v14, v49;
	v51 =	vsel vm6, v3, v20  }
0x6b: {  	[tilespmem:$0x1FF80] =	vst v19;
	v19 =	vsel vm7, v4, v51  }
0x6c: {  	(xrf0) =	vmin.scan.msk.u32 $0xffff, v19;
	_ =	sdelay $0x5  }
0x6d: {  	(v2sf) =	vpush v18, $0xF;
	v52, _, _ =	vpop (xrf0)  }
0x6e: {  	(v2sf) =	vpush v52, $0xF;
	_ =	sdelay $0xd  }
0x6f: {  	s1 =	spop (v2sf)  }
0x70: {  	s13 =	spop (v2sf)  }
0x71: {  	s31 =	sxor.u32 $0x80000000, s13  }
0x72: {  	v53 =	vmov s31  }
0x73: {  	v54 =	vimm.s32 $0x0;
	vm13 =	veq.s32 v53, v0;
	vm14 =	veq.s32 v53, v5  }
0x74: {  	vm15 =	veq.s32 v53, v6;
	vm8 =	veq.s32 v53, v7;
	v14 =	vsel vm13, $0xFF61B1E6, v14  }
0x75: {  	v15 =	vsel vm14, $0xFF61B1E6, v15;
	v16 =	vsel vm15, $0xFF61B1E6, v16;
	v17 =	vsel vm8, $0xFF61B1E6, v17  }
0x76: {  	v18 =	vsel vm8, $0xFFFFFFFF, v54;
	v55 =	vmax.f32 v14, v15;
	v56 =	vmax.f32 v16, v17  }
0x77: {  	[tilespmem:$0x1FFA0] =	vst v18;
	v18 =	vmax.f32 v55, v56  }
0x78: {  	(xrf0) =	vmax.scan.msk.f32 $0xffff, v18;
	_ =	sdelay $0x5  }
0x79: {  	v18, _, _ =	vpop (xrf0)  }
0x7a: {  	v57 =	vbroadcast v18, $0xF;
	_ =	sdelay $0x1  }
0x7b: {  	vm0 =	veq.f32 v17, v57  }
0x7c: {  	vm9 =	veq.f32 v16, v57;
	v58 =	vnsel vm0, $0x80000040, v1  }
0x7d: {  	vm10 =	veq.f32 v15, v57;
	v20 =	vsel vm9, v2, v58  }
0x7e: {  	vm11 =	veq.f32 v14, v57;
	v59 =	vsel vm10, v3, v20  }
0x7f: {  	v19 =	vsel vm11, v4, v59  }
0x80: {  	(xrf0) =	vmin.scan.msk.u32 $0xffff, v19;
	_ =	sdelay $0x5  }
0x81: {  	(v2sf) =	vpush v18, $0xF;
	v60, _, _ =	vpop (xrf0)  }
0x82: {  	(v2sf) =	vpush v60, $0xF;
	_ =	sdelay $0xd  }
0x83: {  	s13 =	spop (v2sf)  }
0x84: {  	s14 =	spop (v2sf)  }
0x85: {  	s12 =	sxor.u32 $0x80000000, s14  }
0x86: {  	v61 =	vmov s12  }
0x87: {  	v22 =	vimm.s32 $0x0;
	vm12 =	veq.s32 v61, v0;
	vm6 =	veq.s32 v61, v5  }
0x88: {  	vm7 =	veq.s32 v61, v6;
	vm8 =	veq.s32 v61, v7;
	v14 =	vsel vm12, $0xFF61B1E6, v14  }
0x89: {  	v15 =	vsel vm6, $0xFF61B1E6, v15;
	v16 =	vsel vm7, $0xFF61B1E6, v16;
	v17 =	vsel vm8, $0xFF61B1E6, v17  }
0x8a: {  	v18 =	vsel vm8, $0xFFFFFFFF, v22;
	v23 =	vmax.f32 v14, v15;
	v24 =	vmax.f32 v16, v17  }
0x8b: {  	[tilespmem:$0x1FFE0] =	vst v18;
	v18 =	vmax.f32 v23, v24  }
0x8c: {  	(xrf0) =	vmax.scan.msk.f32 $0xffff, v18;
	_ =	sdelay $0x5  }
0x8d: {  	v18, _, _ =	vpop (xrf0)  }
0x8e: {  	v25 =	vbroadcast v18, $0xF  }
0x8f: {  	v21 =	vimm.s32 $0x0  }
0x90: {  	v62 =	vimm.s32 $0x0;
	v63 =	vimm.s32 $0x0;
	vm9 =	veq.f32 v17, v25  }
0x91: {  	v19 =	vsel vm12, $0xFFFFFFFF, v62;
	vm10 =	veq.f32 v16, v25;
	v26 =	vnsel vm9, $0x80000040, v1  }
0x92: {  	[tilespmem:$0x1FFB0] =	vst v19;
	v19 =	vsel vm6, $0xFFFFFFFF, v63;
	vm11 =	veq.f32 v15, v25;
	v20 =	vsel vm10, v2, v26  }
0x93: {  	[tilespmem:$0x1FFC0] =	vst v19;
	v19 =	vsel vm7, $0xFFFFFFFF, v21;
	vm12 =	veq.f32 v14, v25;
	v20 =	vsel vm11, v3, v20  }
0x94: {  	[tilespmem:$0x1FFD0] =	vst v19;
	v19 =	vsel vm12, v4, v20  }
0x95: {  	(xrf0) =	vmin.scan.msk.u32 $0xffff, v19;
	_ =	sdelay $0x5  }
0x96: {  	(v2sf) =	vpush v18, $0xF;
	v27, _, _ =	vpop (xrf0)  }
0x97: {  	(v2sf) =	vpush v27, $0xF;
	_ =	sdelay $0xd  }
0x98: {  	s14 =	spop (v2sf)  }
0x99: {  	s15 =	spop (v2sf)  }
0x9a: {  	s29 =	sxor.u32 $0x80000000, s15  }
0x9b: {  	v28 =	vmov s29  }
0x9c: {  	vm6 =	veq.s32 v28, v0;
	vm5 =	veq.s32 v28, v5  }
0x9d: {  	vm7 =	veq.s32 v28, v6;
	vm9 =	veq.s32 v28, v7;
	v14 =	vsel vm6, $0xFF61B1E6, v14  }
0x9e: {  	v15 =	vsel vm5, $0xFF61B1E6, v15;
	v16 =	vsel vm7, $0xFF61B1E6, v16;
	v17 =	vsel vm9, $0xFF61B1E6, v17  }
0x9f: {  	v29 =	vmax.f32 v14, v15;
	v30 =	vmax.f32 v16, v17  }
0xa0: {  	v18 =	vmax.f32 v29, v30  }
0xa1: {  	(xrf0) =	vmax.scan.msk.f32 $0xffff, v18;
	_ =	sdelay $0x5  }
0xa2: {  	v18, _, _ =	vpop (xrf0)  }
0xa3: {  	v31 =	vbroadcast v18, $0xF;
	_ =	sdelay $0x1  }
0xa4: {  	vm4 =	veq.f32 v17, v31  }
0xa5: {  	vm8 =	veq.f32 v16, v31;
	v32 =	vnsel vm4, $0x80000040, v1  }
0xa6: {  	vm10 =	veq.f32 v15, v31;
	v20 =	vsel vm8, v2, v32  }
0xa7: {  	vm11 =	veq.f32 v14, v31;
	v20 =	vsel vm10, v3, v20  }
0xa8: {  	v19 =	vsel vm11, v4, v20  }
0xa9: {  	(xrf0) =	vmin.scan.msk.u32 $0xffff, v19;
	_ =	sdelay $0x5  }
0xaa: {  	(v2sf) =	vpush v18, $0xF;
	v33, _, _ =	vpop (xrf0)  }
0xab: {  	(v2sf) =	vpush v33, $0xF;
	_ =	sdelay $0xd  }
0xac: {  	s15 =	spop (v2sf)  }
0xad: {  	s16 =	spop (v2sf)  }
0xae: {  	s0 =	sxor.u32 $0x80000000, s16  }
0xaf: {  	v34 =	vmov s0  }
0xb0: {  	vm1 =	veq.s32 v34, v0;
	vm3 =	veq.s32 v34, v5  }
0xb1: {  	vm4 =	veq.s32 v34, v6;
	vm2 =	veq.s32 v34, v7;
	v14 =	vsel vm1, $0xFF61B1E6, v14  }
0xb2: {  	v15 =	vsel vm3, $0xFF61B1E6, v15;
	v16 =	vsel vm4, $0xFF61B1E6, v16;
	v17 =	vsel vm2, $0xFF61B1E6, v17  }
0xb3: {  	v35 =	vmax.f32 v14, v15;
	v36 =	vmax.f32 v16, v17  }
0xb4: {  	v18 =	vmax.f32 v35, v36  }
0xb5: {  	(xrf0) =	vmax.scan.msk.f32 $0xffff, v18;
	_ =	sdelay $0x5  }
0xb6: {  	v18, _, _ =	vpop (xrf0)  }
0xb7: {  	v37 =	vbroadcast v18, $0xF;
	_ =	sdelay $0x1  }
0xb8: {  	vm8 =	veq.f32 v17, v37  }
0xb9: {  	vm12 =	veq.f32 v16, v37;
	v38 =	vnsel vm8, $0x80000040, v1  }
0xba: {  	vm0 =	veq.f32 v15, v37;
	v20 =	vsel vm12, v2, v38  }
0xbb: {  	vm12 =	veq.f32 v14, v37;
	v20 =	vsel vm0, v3, v20  }
0xbc: {  	v19 =	vsel vm12, v4, v20  }
0xbd: {  	(xrf0) =	vmin.scan.msk.u32 $0xffff, v19;
	_ =	sdelay $0x5  }
0xbe: {  	(v2sf) =	vpush v18, $0xF;
	v39, _, _ =	vpop (xrf0)  }
0xbf: {  	(v2sf) =	vpush v39, $0xF;
	_ =	sdelay $0x6  }
0xc0: {  	s26 =	sadd.f32 s28, s26;
	_ =	sdelay $0x1  }
0xc1: {  	s24 =	sadd.f32 s26, s24;
	_ =	sdelay $0x1  }
0xc2: {  	s23 =	sadd.f32 s24, s23;
	_ =	sdelay $0x1  }
0xc3: {  	s26 =	ssub.f32 s22, s22;
	v50 =	vmov s23  }
0xc4: {  	(erf) = vrcp.f32 v50;
	v47 =	vsel vm13, $0x1, v8;
	vm13 =	vcmask $0x300;
	s13 =	ssub.f32 s13, s22;
	s16 =	spop (v2sf)  }
0xc5: {  	v48 =	vsel vm14, $0x1, v8;
	vm14 =	vcmask $0xB20;
	v13 =	vnsel vm13, $0x0, v13;
	s23 =	ssub.f32 s14, s22;
	s2 =	spop (v2sf)  }
0xc6: {  	s30 =	ssub.f32 s30, s22;
	vm13 =	vcmask $0x720;
	v52 =	vmov s13;
	v28 =	vmov s26;
	s2 =	sxor.u32 $0x80000000, s2  }
0xc7: {  	v53 =	vmov s23;
	v28 =	vmul.f32 $1.442695020e+00, v28;
	v40 =	vmov s2  }
0xc8: {  	v29 =	vmov s30;
	vm8 =	veq.s32 v40, v0;
	vm10 =	veq.s32 v40, v5  }
0xc9: {  	s1 =	ssub.f32 s1, s22;
	vm11 =	veq.s32 v40, v6;
	vm12 =	veq.s32 v40, v7;
	v14 =	vsel vm8, $0xFF61B1E6, v14  }
0xca: {  	v43 =	vld [tilespmem:$0x1FF20];
	v15 =	vsel vm10, $0xFF61B1E6, v15;
	v16 =	vsel vm11, $0xFF61B1E6, v16;
	v17 =	vsel vm12, $0xFF61B1E6, v17  }
0xcb: {  	v44 =	vld [tilespmem:$0x1FF30];
	v30 =	vmov s1;
	v41 =	vmax.f32 v14, v15;
	v42 =	vmax.f32 v16, v17  }
0xcc: {  	v45 =	vld [tilespmem:$0x1FF40];
	v28 =	vbroadcast v28, $0x0;
	v51 =	vmul.f32 $1.442695020e+00, v30;
	s24 =	ssub.f32 s15, s22;
	v18 =	vmax.f32 v41, v42  }
0xcd: {  	v46 =	vld [tilespmem:$0x1FF50];
	v57 =	vsel vm6, $0x1, v8;
	vm6 =	vcmask $0x1B20;
	v49 =	vmul.f32 $1.442695020e+00, v29;
	(xrf0) =	vmax.scan.msk.f32 $0xffff, v18  }
0xce: {  	v23 =	vld [tilespmem:$0x1FF60];
	(erf) = vpow2.f32 v28;
	v28 =	vbroadcast v51, $0x0;
	v54 =	vmov s24  }
0xcf: {  	v24 =	vld [tilespmem:$0x1FF70];
	v58 =	vmul.f32 $1.442695020e+00, v54;
	v59 =	vsel vm3, $0x1, v8;
	vm0 =	vnez.u8 v43  }
0xd0: {  	v25 =	vld [tilespmem:$0x1FF80];
	v60 =	vsel vm4, $0x1, v8;
	v19 =	vsel vm0, $0x1, v8;
	vm0 =	vnez.u8 v44  }
0xd1: {  	v26 =	vld [tilespmem:$0x1FF90];
	v61 =	vsel vm2, $0x1, v8;
	v20 =	vsel vm0, $0x1, v8;
	vm0 =	vnez.u8 v45  }
0xd2: {  	v35 =	vsel vm5, $0x1, v8;
	v21 =	vsel vm0, $0x1, v8;
	vm0 =	vnez.u8 v46  }
0xd3: {  	vm5 =	vcmask $0xF20;
	v22 =	vsel vm0, $0x1, v8;
	vm0 =	vnez.u8 v23;
	v18, _, _ =	vpop (xrf0)  }
0xd4: {  	v23 =	vsel vm0, $0x1, v8;
	vm0 =	vnez.u8 v24;
	(v2sf) =	vpush v18, $0xF  }
0xd5: {  	v24 =	vsel vm0, $0x1, v8;
	vm0 =	vnez.u8 v25;
	v18 =	vbroadcast v18, $0xF  }
0xd6: {  	v36 =	vsel vm7, $0x1, v8;
	v25 =	vsel vm0, $0x1, v8;
	vm0 =	vnez.u8 v26  }
0xd7: {  	vm7 =	vcmask $0x1720;
	v26 =	vsel vm0, $0x1, v8;
	vm0 =	veq.f32 v17, v18  }
0xd8: {  	v37 =	vsel vm9, $0x1, v8;
	v41 =	vld [tilespmem:$0x1FFF0];
	v27 =	vnsel vm0, $0x80000040, v1;
	vm0 =	veq.f32 v16, v18  }
0xd9: {  	v38 =	vsel vm1, $0x1, v8;
	v27 =	vsel vm0, v2, v27;
	vm0 =	veq.f32 v15, v18  }
0xda: {  	vm9 =	vcmask $0x1320;
	v27 =	vsel vm0, v3, v27;
	vm0 =	veq.f32 v14, v18  }
0xdb: {  	v19 =	vadd.s32 v19, v23;
	v20 =	vadd.s32 v20, v24;
	v40 =	vpop (erf);
	v18 =	vsel vm0, v4, v27  }
0xdc: {  	v21 =	vadd.s32 v21, v25;
	v22 =	vadd.s32 v22, v26;
	v51 =	vsel vm8, $0x1, v8;
	v42 =	vpop (erf);
	v14 =	vld [tilespmem:$0x1FFA0];
	(xrf0) =	vmin.scan.msk.u32 $0xffff, v18  }
0xdd: {  	v62 =	vmul.f32 v40, v42;
	vm1 =	vnez.u8 v41;
	v17 =	vadd.s32 v47, v19  }
0xde: {  	v56 =	vld [tilespmem:$0x1FFB0];
	v16 =	vadd.s32 v48, v20;
	v15 =	vsel vm15, $0x1, v8;
	v27 =	vbroadcast v49, $0x0  }
0xdf: {  	v15 =	vadd.s32 v15, v21;
	v18 =	vmul.f32 $1.442695020e+00, v53;
	v53 =	vsel vm11, $0x1, v8  }
0xe0: {  	(erf) = vpow2.f32 v27;
	v27 =	vmul.f32 $1.442695020e+00, v52;
	v52 =	vsel vm10, $0x1, v8  }
0xe1: {  	v32 =	vld [tilespmem:$0x1FFC0];
	(erf) = vpow2.f32 v28;
	v18 =	vbroadcast v18, $0x0;
	vm15 =	vnez.u8 v14  }
0xe2: {  	v33 =	vld [tilespmem:$0x1FFD0];
	v27 =	vbroadcast v27, $0x0;
	v14 =	vsel vm15, $0x1, v8;
	vm15 =	vcmask $0x704;
	v39, _, _ =	vpop (xrf0)  }
0xe3: {  	v34 =	vld [tilespmem:$0x1FFE0];
	v13 =	vsel vm15, s25, v13;
	vm15 =	vnez.u8 v56;
	s26 =	spop (v2sf);
	(v2sf) =	vpush v39, $0xF  }
0xe4: {  	s25 =	ssub.f32 s16, s22;
	(erf) = vpow2.f32 v27;
	v14 =	vadd.s32 v14, v22;
	v13 =	vnsel vm13, s31, v13  }
0xe5: {  	v28 =	vsel vm15, $0x1, v8;
	(erf) = vpow2.f32 v18;
	v18 =	vbroadcast v58, $0x0  }
0xe6: {  	vm15 =	vnez.u8 v32;
	v13 =	vnsel vm14, s12, v13;
	v55 =	vmov s25  }
0xe7: {  	v32 =	vsel vm15, $0x1, v8;
	vm15 =	vnez.u8 v33;
	(erf) = vpow2.f32 v18  }
0xe8: {  	v17 =	vadd.s32 v28, v17;
	v33 =	vsel vm15, $0x1, v8;
	vm15 =	vnez.u8 v34  }
0xe9: {  	v16 =	vadd.s32 v32, v16;
	v47 =	vmul.f32 $1.442695020e+00, v55;
	v17 =	vadd.s32 v57, v17;
	s28 =	ssub.f32 s26, s22  }
0xea: {  	v13 =	vnsel vm5, s29, v13;
	v55 =	vsel vm12, $0x1, v8;
	v34 =	vsel vm15, $0x1, v8  }
0xeb: {  	vm15 =	vcmask $0x320;
	v15 =	vadd.s32 v33, v15;
	v31 =	vmov s28  }
0xec: {  	v16 =	vadd.s32 v35, v16;
	v17 =	vadd.s32 v38, v17;
	v43 =	vpop (erf);
	v49 =	vmul.f32 $1.442695020e+00, v31  }
0xed: {  	v13 =	vnsel vm9, s0, v13;
	v14 =	vadd.s32 v34, v14;
	v20 =	vbroadcast v47, $0x0;
	v42 =	vpop (erf)  }
0xee: {  	v15 =	vadd.s32 v36, v15;
	v16 =	vadd.s32 v59, v16;
	v45 =	vpop (erf);
	v21 =	vbroadcast v49, $0x0  }
0xef: {  	v17 =	vadd.s32 v51, v17;
	v13 =	vnsel vm7, s2, v13;
	v48 =	vpop (erf);
	(erf) = vpow2.f32 v20  }
0xf0: {  	v63 =	vmul.f32 v43, v40;
	v43 =	vnsel vm1, $0x0, v62;
	v50 =	vpop (erf);
	(erf) = vpow2.f32 v21  }
0xf1: {  	v14 =	vadd.s32 v37, v14;
	v15 =	vadd.s32 v60, v15;
	v44 =	vmul.f32 v42, v40  }
0xf2: {  	v16 =	vadd.s32 v52, v16;
	v18 =	vsel vm15, v43, v63;
	v46 =	vmul.f32 v45, v40;
	s30 =	spop (v2sf)  }
0xf3: {  	v14 =	vadd.s32 v61, v14;
	v18 =	vsel vm13, v18, v44;
	v19 =	vmul.f32 v48, v40;
	s0 =	sxor.u32 $0x80000000, s30  }
0xf4: {  	v15 =	vadd.s32 v53, v15;
	v18 =	vsel vm14, v18, v46;
	v54 =	vmov s0  }
0xf5: {  	v14 =	vadd.s32 v55, v14;
	v18 =	vsel vm5, v18, v19;
	vm12 =	veq.s32 v54, v0  }
0xf6: {  	v19 =	vmul.f32 v50, v40;
	vm13 =	veq.s32 v54, v5;
	v56 =	vsel vm12, $0x1, v8  }
0xf7: {  	vm14 =	veq.s32 v54, v6;
	v57 =	vsel vm13, $0x1, v8;
	v17 =	vadd.s32 v56, v17  }
0xf8: {  	p0 =	sne.s32 s21, $0x3FC0;
	v58 =	vpop (erf);
	vm15 =	veq.s32 v54, v7;
	v59 =	vsel vm14, $0x1, v8;
	v16 =	vadd.s32 v57, v16;
	[tilespmem:s19+$0xFFFFFFE0] =	vst v17  }
.Ltmp0:
0xf9: {  	v60 =	vmul.f32 v58, v40;
	v62 =	vpop (erf);
	v61 =	vsel vm15, $0x1, v8;
	v15 =	vadd.s32 v59, v15;
	[tilespmem:s19+$0xFFFFFFF0] =	vst v16;
	(pc) =	sbr.rel @p0 .LBB2_2-.Ltmp0, $4  }
0xfa: {  	v18 =	vsel vm9, v18, v19;
	v63 =	vmul.f32 v62, v40;
	v14 =	vadd.s32 v61, v14;
	[tilespmem:s19+$0x0] =	vst v15  }
0xfb: {  	s31 =	sshra.s32 s21, $0x2;
	v13 =	vnsel vm6, s0, v13;
	v18 =	vsel vm7, v18, v60;
	[tilespmem:s19+$0x10] =	vst v14  }
0xfc: {  	v18 =	vsel vm6, v18, v63;
	v12 =	vadd.s32 v12, v17;
	[tilespmem:s31+$0xC000] =	vst v13  }
0xfd: {  	s20 =	sadd.s32 $0x40, s20;
	s21 =	sadd.s32 $0x40, s21;
	v11 =	vadd.s32 v11, v16;
	v10 =	vadd.s32 v10, v15;
	v9 =	vadd.s32 v9, v14;
	s19 =	sadd.s32 $0x40, s19;
	[tilespmem:s31+$0xD000] =	vst v18  }
0xfe: {  	[tilespmem:$0xE000] =	vst v12  }
0xff: {  	[tilespmem:$0xE010] =	vst v11  }
0x100: {  	[tilespmem:$0xE020] =	vst v10  }
0x101: {  	[tilespmem:$0xE030] =	vst v9;
	s0 =	simm.s32 $0xE000  }
0x102: {  	[spmem:s5] =	stream.linear.scatter [tilespmem:s0], [sflag:$0x1], $0x40, $0x38;
	[tilespmem:$0xE4C0] =	vst v63  }
0x103: {  	_ =	swait.ge [sflag:s11], $0x40  }
0x104: {  	[sflag:s11] =	ssyncset.done $0x0  }
0x105: {  	[sflag:s11] =	ssyncadd.s32 $0xFFFFFFC0  }
0x106: {  	[bflag:$0x0] =	sbarrier.arrive $0xFFFF  }
0x107: {  	s1 =	simm.s32 $0xE080;
	s21 =	rddreg [dreg:$0x2]  }
0x108: {  	[tilespmem:s1], [sflag:$0x1] =	stream.linear.gather [spmem:s21], $0x400, $0x38;
	[tilespmem:$0xE4C0] =	vst v63  }
0x109: {  	_ =	swait.ge [sflag:s11], $0x400  }
0x10a: {  	[sflag:s11] =	ssyncset.done $0x0  }
0x10b: {  	[sflag:s11] =	ssyncadd.s32 $0xFFFFFC00  }
0x10c: {  	v9 =	vld [tilespmem:$0xE080]  }
0x10d: {  	v10 =	vld [tilespmem:$0xE090]  }
0x10e: {  	v11 =	vld [tilespmem:$0xE0A0]  }
0x10f: {  	v12 =	vld [tilespmem:$0xE0B0]  }
0x110: {  	v13 =	vld [tilespmem:$0xE0C0]  }
0x111: {  	v14 =	vld [tilespmem:$0xE0D0]  }
0x112: {  	v15 =	vld [tilespmem:$0xE0E0]  }
0x113: {  	v16 =	vld [tilespmem:$0xE0F0]  }
0x114: {  	v17 =	vld [tilespmem:$0xE100]  }
0x115: {  	v18 =	vld [tilespmem:$0xE110]  }
0x116: {  	v19 =	vld [tilespmem:$0xE120]  }
0x117: {  	v20 =	vld [tilespmem:$0xE130]  }
0x118: {  	v21 =	vld [tilespmem:$0xE140]  }
0x119: {  	v22 =	vld [tilespmem:$0xE150]  }
0x11a: {  	v23 =	vld [tilespmem:$0xE160]  }
0x11b: {  	v24 =	vld [tilespmem:$0xE170]  }
0x11c: {  	v25 =	vld [tilespmem:$0xE180]  }
0x11d: {  	v26 =	vld [tilespmem:$0xE190]  }
0x11e: {  	v27 =	vld [tilespmem:$0xE1A0]  }
0x11f: {  	v28 =	vld [tilespmem:$0xE1B0]  }
0x120: {  	v29 =	vld [tilespmem:$0xE1C0]  }
0x121: {  	s22 =	sld [smem:$0x7FB];
	v30 =	vld [tilespmem:$0xE1D0]  }
0x122: {  	s23 =	sld [smem:$0x7FA];
	v31 =	vld [tilespmem:$0xE1E0]  }
0x123: {  	v32 =	vld [tilespmem:$0xE1F0]  }
0x124: {  	v35 =	vld [tilespmem:$0xE220]  }
0x125: {  	v33 =	vld [tilespmem:$0xE200];
	p1 =	seq.s32 s22, $0x1;
	p0 =	seq.s32 s23, $0x1  }
0x126: {  	s24 =	sld [smem:$0x7F9];
	v34 =	vld [tilespmem:$0xE210];
	v9 =	vpsel !p1, $0x0, v9;
	v10 =	vpsel !p1, $0x0, v10;
	v13 =	vpsel !p0, $0x0, v13  }
0x127: {  	v47 =	vld [tilespmem:$0xE2D0];
	v11 =	vpsel !p1, $0x0, v11;
	v9 =	vadd.s32 v9, v13;
	v13 =	vpsel !p0, $0x0, v14  }
0x128: {  	s25 =	sld [smem:$0x7F8];
	v49 =	vld [tilespmem:$0xE2F0];
	v12 =	vpsel !p1, $0x0, v12;
	v10 =	vadd.s32 v10, v13;
	v13 =	vpsel !p0, $0x0, v15  }
0x129: {  	v50 =	vld [tilespmem:$0xE300];
	p1 =	seq.s32 s24, $0x1;
	v57 =	vpsel !p6, $0x0, v35;
	v11 =	vadd.s32 v11, v13;
	v13 =	vpsel !p0, $0x0, v16  }
0x12a: {  	v53 =	vld [tilespmem:$0xE320];
	v16 =	vpsel !p1, $0x0, v17;
	v12 =	vadd.s32 v12, v13;
	v13 =	vpsel !p1, $0x0, v18  }
0x12b: {  	s26 =	sld [smem:$0x7F7];
	v52 =	vld [tilespmem:$0xE310];
	v18 =	vpsel !p1, $0x0, v20;
	v10 =	vadd.s32 v13, v10;
	v13 =	vpsel !p1, $0x0, v19;
	p1 =	seq.s32 s25, $0x1  }
0x12c: {  	v55 =	vld [tilespmem:$0xE330];
	v9 =	vadd.s32 v16, v9;
	v11 =	vadd.s32 v13, v11;
	v13 =	vpsel !p1, $0x0, v21  }
0x12d: {  	v56 =	vld [tilespmem:$0xE340];
	v12 =	vadd.s32 v18, v12;
	v9 =	vadd.s32 v13, v9;
	v13 =	vpsel !p1, $0x0, v22  }
0x12e: {  	s28 =	sld [smem:$0x7F6];
	v58 =	vld [tilespmem:$0xE350];
	v20 =	vpsel !p1, $0x0, v23;
	v10 =	vadd.s32 v13, v10;
	v13 =	vpsel !p1, $0x0, v24;
	p1 =	seq.s32 s26, $0x1  }
0x12f: {  	v60 =	vld [tilespmem:$0xE3D0];
	v59 =	vpsel !p3, $0x0, v53;
	v12 =	vadd.s32 v13, v12;
	v13 =	vpsel !p1, $0x0, v25  }
0x130: {  	v14 =	vld [tilespmem:$0xE230];
	v11 =	vadd.s32 v20, v11;
	v9 =	vadd.s32 v13, v9;
	v13 =	vpsel !p1, $0x0, v27  }
0x131: {  	v15 =	vld [tilespmem:$0xE280];
	v48 =	vpsel !p1, $0x0, v26;
	v11 =	vadd.s32 v13, v11;
	v13 =	vpsel !p1, $0x0, v28;
	p1 =	seq.s32 s28, $0x1  }
0x132: {  	v17 =	vld [tilespmem:$0xE290];
	v10 =	vadd.s32 v48, v10;
	v12 =	vadd.s32 v13, v12;
	v13 =	vpsel !p1, $0x0, v30  }
0x133: {  	v16 =	vld [tilespmem:$0xE2A0];
	v51 =	vpsel !p1, $0x0, v29;
	v10 =	vadd.s32 v13, v10;
	v13 =	vpsel !p1, $0x0, v31  }
0x134: {  	v19 =	vld [tilespmem:$0xE2B0];
	v9 =	vadd.s32 v51, v9;
	v11 =	vadd.s32 v13, v11;
	v13 =	vpsel !p6, $0x0, v33  }
0x135: {  	v18 =	vld [tilespmem:$0xE2C0];
	v54 =	vpsel !p1, $0x0, v32;
	v9 =	vadd.s32 v13, v9;
	v13 =	vpsel !p6, $0x0, v34  }
0x136: {  	v20 =	vld [tilespmem:$0xE2E0];
	v12 =	vadd.s32 v54, v12;
	v10 =	vadd.s32 v13, v10;
	v13 =	vpsel !p6, $0x0, v14  }
0x137: {  	v61 =	vld [tilespmem:$0xE3E0];
	v62 =	vpsel !p2, $0x0, v58;
	v12 =	vadd.s32 v13, v12;
	v13 =	vpsel !p5, $0x0, v15  }
0x138: {  	v63 =	vld [tilespmem:$0xE3F0];
	v11 =	vadd.s32 v57, v11;
	v9 =	vadd.s32 v13, v9;
	v13 =	vpsel !p5, $0x0, v16  }
0x139: {  	v14 =	vld [tilespmem:$0xE360];
	v15 =	vpsel !p5, $0x0, v17;
	v11 =	vadd.s32 v13, v11;
	v13 =	vpsel !p5, $0x0, v19  }
0x13a: {  	v17 =	vld [tilespmem:$0xE370];
	v10 =	vadd.s32 v15, v10;
	v12 =	vadd.s32 v13, v12;
	v13 =	vpsel !p4, $0x0, v47  }
0x13b: {  	v15 =	vld [tilespmem:$0xE380];
	v16 =	vpsel !p4, $0x0, v18;
	v10 =	vadd.s32 v13, v10;
	v13 =	vpsel !p4, $0x0, v20  }
0x13c: {  	s29 =	sld [smem:$0x7FD];
	v18 =	vld [tilespmem:$0xE390];
	v9 =	vadd.s32 v16, v9;
	v11 =	vadd.s32 v13, v11;
	v13 =	vpsel !p3, $0x0, v50  }
0x13d: {  	v16 =	vld [tilespmem:$0xE3A0];
	v19 =	vpsel !p4, $0x0, v49;
	v9 =	vadd.s32 v13, v9;
	v13 =	vpsel !p3, $0x0, v52  }
0x13e: {  	v20 =	vld [tilespmem:$0xE3B0];
	v12 =	vadd.s32 v19, v12;
	v10 =	vadd.s32 v13, v10;
	v13 =	vpsel !p3, $0x0, v55  }
0x13f: {  	p1 =	seq.s32 s29, $0x1;
	v19 =	vld [tilespmem:$0xE3C0];
	v11 =	vadd.s32 v59, v11;
	v12 =	vadd.s32 v13, v12;
	v13 =	vpsel !p2, $0x0, v56  }
0x140: {  	s30 =	sld [smem:$0x7FC];
	v15 =	vpsel !p1, $0x0, v15;
	v9 =	vadd.s32 v13, v9;
	v13 =	vpsel !p2, $0x0, v14;
	v14 =	vld [tilespmem:$0xE400]  }
0x141: {  	s0 =	simm.s32 $0x0;
	s31 =	sld [smem:$0x7F5];
	v10 =	vadd.s32 v62, v10;
	v11 =	vadd.s32 v13, v11;
	v13 =	vpsel !p2, $0x0, v17;
	v17 =	vld [tilespmem:$0xE410]  }
0x142: {  	v9 =	vadd.s32 v15, v9;
	v15 =	vld [tilespmem:s0+$0x4000];
	v12 =	vadd.s32 v13, v12;
	v13 =	vpsel !p1, $0x0, v18  }
0x143: {  	v18 =	vld [tilespmem:$0xE420];
	v10 =	vadd.s32 v13, v10;
	v13 =	vpsel !p1, $0x0, v16;
	v16 =	vpsel !p1, $0x0, v20;
	p1 =	seq.s32 s30, $0x1  }
0x144: {  	p0 =	seq.s32 s31, $0x1;
	v11 =	vadd.s32 v13, v11;
	v12 =	vadd.s32 v16, v12;
	v13 =	vpsel !p1, $0x0, v19;
	v16 =	vld [tilespmem:s0+$0x4010]  }
0x145: {  	v19 =	vld [tilespmem:$0xE430];
	v9 =	vadd.s32 v13, v9;
	v13 =	vpsel !p1, $0x0, v60;
	v14 =	vpsel !p0, $0x0, v14  }
0x146: {  	v10 =	vadd.s32 v13, v10;
	v13 =	vpsel !p1, $0x0, v61;
	v9 =	vadd.s32 v14, v9;
	v14 =	vld [tilespmem:s0+$0x4020]  }
0x147: {  	v20 =	vld [tilespmem:s0+$0x4030];
	v11 =	vadd.s32 v13, v11;
	v13 =	vpsel !p0, $0x0, v17;
	v9 =	vadd.s32 v9, v15  }
0x148: {  	v17 =	vpsel !p1, $0x0, v63;
	v10 =	vadd.s32 v13, v10;
	vm0 =	vlt.s32 v9, $0x141  }
0x149: {  	v13 =	vpsel !p0, $0x0, v18;
	v12 =	vadd.s32 v17, v12;
	v15 =	vnsel vm0, $0x0, v15  }
0x14a: {  	v10 =	vadd.s32 v10, v16;
	v11 =	vadd.s32 v13, v11;
	[tilespmem:s0+$0x4000] =	vst v15;
	v15 =	vpsel !p0, $0x0, v19  }
0x14b: {  	vm1 =	vlt.s32 v10, $0x141;
	v11 =	vadd.s32 v11, v14;
	v12 =	vadd.s32 v15, v12  }
0x14c: {  	s1 =	simm.s32 $0x40;
	v16 =	vnsel vm1, $0x0, v16;
	vm2 =	vlt.s32 v11, $0x141;
	v12 =	vadd.s32 v12, v20  }
0x14d: {  	v13 =	vld [tilespmem:s1+$0x4000];
	[tilespmem:s0+$0x4010] =	vst v16;
	v15 =	vnsel vm2, $0x0, v14;
	vm3 =	vlt.s32 v12, $0x141  }
0x14e: {  	v19 =	vsel vm1, $0x1, v8;
	v14 =	vld [tilespmem:s1+$0x4010];
	[tilespmem:s0+$0x4020] =	vst v15;
	v20 =	vnsel vm3, $0x0, v20  }
0x14f: {  	s2 =	simm.s32 $0x200;
	v16 =	vsel vm0, $0x1, v8;
	v17 =	vsel vm2, $0x1, v8;
	v18 =	vsel vm3, $0x1, v8;
	v15 =	vld [tilespmem:s1+$0x4020];
	[tilespmem:s0+$0x4030] =	vst v20  }
.LBB2_4:
0x150: {  	p0 =	sne.s32 s2, $0xFF00;
	v20 =	vld [tilespmem:s1+$0x4030];
	[tilespmem:s0+$0x8000] =	vst v16  }
0x151: {  	[tilespmem:s0+$0x8010] =	vst v19  }
0x152: {  	v9 =	vadd.s32 v9, v13;
	[tilespmem:s0+$0x8020] =	vst v17  }
0x153: {  	v10 =	vadd.s32 v10, v14;
	vm0 =	vlt.s32 v9, $0x141;
	[tilespmem:s0+$0x8030] =	vst v18;
	s0 =	smov.u32 s1  }
.Ltmp1:
0x154: {  	v11 =	vadd.s32 v11, v15;
	vm1 =	vlt.s32 v10, $0x141;
	v13 =	vnsel vm0, $0x0, v13;
	(pc) =	sbr.rel @p0 .LBB2_4-.Ltmp1, $4  }
0x155: {  	s1 =	sshra.s32 s2, $0x2;
	v12 =	vadd.s32 v12, v20;
	vm2 =	vlt.s32 v11, $0x141;
	[tilespmem:s0+$0x4000] =	vst v13;
	v14 =	vnsel vm1, $0x0, v14  }
0x156: {  	v16 =	vsel vm0, $0x1, v8;
	v13 =	vld [tilespmem:s1+$0x4000];
	vm0 =	vlt.s32 v12, $0x141;
	[tilespmem:s0+$0x4010] =	vst v14;
	v15 =	vnsel vm2, $0x0, v15  }
0x157: {  	v19 =	vsel vm1, $0x1, v8;
	v17 =	vsel vm2, $0x1, v8;
	v14 =	vld [tilespmem:s1+$0x4010];
	[tilespmem:s0+$0x4020] =	vst v15;
	v20 =	vnsel vm0, $0x0, v20  }
0x158: {  	s2 =	sadd.s32 $0x100, s2;
	v18 =	vsel vm0, $0x1, v8;
	v15 =	vld [tilespmem:s1+$0x4020];
	[tilespmem:s0+$0x4030] =	vst v20  }
0x159: {  	_ = 	snop  }
0x15a: {  	v20 =	vld [tilespmem:s1+$0x4030];
	[tilespmem:s0+$0x8000] =	vst v16  }
0x15b: {  	[tilespmem:s0+$0x8010] =	vst v19;
	v9 =	vadd.s32 v9, v13  }
0x15c: {  	[tilespmem:s0+$0x8020] =	vst v17;
	v10 =	vadd.s32 v10, v14;
	vm0 =	vlt.s32 v9, $0x141  }
0x15d: {  	[tilespmem:s0+$0x8030] =	vst v18;
	v9 =	vadd.s32 v11, v15;
	vm1 =	vlt.s32 v10, $0x141;
	v10 =	vnsel vm0, $0x0, v13  }
0x15e: {  	vm2 =	vlt.s32 v9, $0x141;
	[tilespmem:s1+$0x4000] =	vst v10;
	v9 =	vnsel vm1, $0x0, v14  }
0x15f: {  	v10 =	vsel vm0, $0x1, v8;
	[tilespmem:s1+$0x4010] =	vst v9  }
0x160: {  	v11 =	vadd.s32 v12, v20;
	v9 =	vnsel vm2, $0x0, v15;
	[tilespmem:s1+$0x8000] =	vst v10  }
0x161: {  	vm3 =	vlt.s32 v11, $0x141;
	v10 =	vsel vm2, $0x1, v8;
	[tilespmem:s1+$0x4020] =	vst v9  }
0x162: {  	v9 =	vnsel vm3, $0x0, v20;
	[tilespmem:s1+$0x8020] =	vst v10  }
0x163: {  	[tilespmem:s1+$0x4030] =	vst v9;
	v9 =	vsel vm1, $0x1, v8  }
0x164: {  	[tilespmem:s1+$0x8010] =	vst v9;
	v9 =	vsel vm3, $0x1, v8  }
0x165: {  	s29 =	simm.s32 $0x4000;
	[tilespmem:s1+$0x8030] =	vst v9  }
0x166: {  	[hbm4b:s6+s3] =	stream.linear.scatter [tilespmem:s29], [sflag:$0x1], $0x4000, $0x38;
	[tilespmem:$0xE4C0] =	vst v63  }
0x167: {  	_ =	swait.ge [sflag:s11], $0x4000  }
0x168: {  	[sflag:s11] =	ssyncset.done $0x0  }
0x169: {  	s30 =	simm.s32 $0x8000;
	[sflag:s11] =	ssyncadd.s32 $0xFFFFC000  }
0x16a: {  	[hbm4b:s7+s3] =	stream.linear.scatter [tilespmem:s30], [sflag:$0x1], $0x4000, $0x38;
	[tilespmem:$0xE4C0] =	vst v63  }
0x16b: {  	_ =	swait.ge [sflag:s11], $0x4000  }
0x16c: {  	[sflag:s11] =	ssyncset.done $0x0  }
0x16d: {  	s31 =	simm.s32 $0xC000;
	[sflag:s11] =	ssyncadd.s32 $0xFFFFC000  }
0x16e: {  	[hbm4b:s8+s3] =	stream.linear.scatter [tilespmem:s31], [sflag:$0x1], $0x1000, $0x38;
	[tilespmem:$0xE4C0] =	vst v63  }
0x16f: {  	s18 =	sadd.s32 $0x1, s18;
	_ =	swait.ge [sflag:s11], $0x1000  }
0x170: {  	p0 =	sne.s32 s18, s10;
	[sflag:s11] =	ssyncset.done $0x0  }
.Ltmp2:
0x171: {  	[sflag:s11] =	ssyncadd.s32 $0xFFFFF000;
	(pc) =	sbr.rel @p0 .LBB2_1-.Ltmp2, $4  }
0x172: {  	[hbm4b:s9+s3] =	stream.linear.scatter [tilespmem:s17], [sflag:$0x1], $0x1000, $0x38;
	[tilespmem:$0xE4C0] =	vst v63  }
0x173: {  	_ =	swait.ge [sflag:s11], $0x1000  }
0x174: {  	[sflag:s11] =	ssyncset.done $0x0  }
0x175: {  	[sflag:s11] =	ssyncadd.s32 $0xFFFFF000  }
0x176: {  	_ =	sfence.sel $0x180000  }
0x177: {  	[bflag:$0x0] =	sbarrier.arrive $0xFFFF  }
0x178: {  	_ =	strace $0x90000047  }
0x179: {  	s0 =	stileid.u32;
	[bflag:$0x2] =	sbarrier.arrive $0xFFFF  }
0x17a: {  	p0 =	sne.s32 s0, $0x0;
	s0 =	rddreg [dreg:$0x3]  }
0x17b: {  	s0 =	sadd.s32 @!p0 $0x100000, s0  }
0x17c: {  	[sflag:s0] =	ssyncadd.tile.s32 @!p0 $0x1;
	_ =	shalt  }
.Lfunc_end2:
_tile_overlayer_lowered:
.L_overlay_start_2:
0x17d: {  	(tag) =	ssettag $0x2  }
0x17e: {  	s0 =	rddreg [dreg:$0x0];
	s2 =	stileid.u32  }
0x17f: {  	s1 =	rddreg [dreg:$0x1];
	p0 =	sne.s32 s2, $0x0  }
0x180: {  	s3 =	rddreg [dreg:$0x2];
	[bflag:$0x3] =	sbarrier.arrive $0xFFFF;
	s2 =	simm.s32 @!p0 $0x1C01  }
0x181: {  	[timem:s3], [sflag:s2] =	dma.local @!p0 [hbm:s0], s1  }
0x182: {  	s0 =	simm.s32 @!p0 $0x1  }
0x183: {  	_ =	swait.ge @!p0 [sflag:s0], s1  }
0x184: {  	s1 =	ssub.s32 @!p0 $0x0, s1;
	[sflag:s0] =	ssyncset.done @!p0 $0x0  }
0x185: {  	[sflag:s0] =	ssyncadd.s32 @!p0 s1  }
0x186: {  	[bflag:$0x3] =	sbarrier.arrive $0xFFFF  }
0x187: {  	_ =	shalt  }

</sc_bundles>
